<compile_context>
chip_gen: v7x
topology: tpu7x:2x2x1
jax: 0.10.2.dev20260603
libtpu: 0.0.44.dev20260713+nightly
codegen_flags: <defaults>
</compile_context>

<pallas_src>
import jax
import jax.numpy as jnp
from jax import lax
from jax.experimental import pallas as pl
from jax.experimental.pallas import tpu as pltpu
from jax.experimental.pallas import tpu_sc as plsc

BATCH = 16384
EMB = 64
NC = 2
NS = 16
NW = NC * NS
BPW = BATCH // NW
LANES = 16


def _body(p_hbm, q_hbm, uid_hbm, bid_hbm, out_hbm,
          uidx_v, bidx_v, urows_v, qrows_v, out_v, sem_u, sem_q):
    wid = lax.axis_index("s") * NC + lax.axis_index("c")
    base = wid * BPW

    pltpu.sync_copy(uid_hbm.at[pl.ds(base, BPW)], uidx_v)
    pltpu.sync_copy(bid_hbm.at[pl.ds(base, BPW)], bidx_v)

    cp_u = pltpu.async_copy(p_hbm.at[uidx_v], urows_v, sem_u)
    cp_q = pltpu.async_copy(q_hbm.at[bidx_v], qrows_v, sem_q)
    cp_u.wait()
    cp_q.wait()

    lanes = lax.iota(jnp.int32, LANES)

    def group(g, _):
        vec = jnp.zeros((LANES,), jnp.float32)
        for j in range(LANES):
            r = g * LANES + j
            acc = urows_v[r, pl.ds(0, LANES)] * qrows_v[r, pl.ds(0, LANES)]
            for k in range(1, EMB // LANES):
                acc = acc + urows_v[r, pl.ds(k * LANES, LANES)] * \
                    qrows_v[r, pl.ds(k * LANES, LANES)]
            vec = jnp.where(lanes == j, jnp.sum(acc), vec)
        out_v[pl.ds(g * LANES, LANES)] = vec
        return 0

    lax.fori_loop(0, BPW // LANES, group, 0)

    pltpu.sync_copy(out_v, out_hbm.at[pl.ds(base, BPW)])


_sc_call = pl.kernel(
    _body,
    out_type=jax.ShapeDtypeStruct((BATCH,), jnp.float32),
    mesh=plsc.VectorSubcoreMesh(
        core_axis_name="c", subcore_axis_name="s",
        num_cores=NC, num_subcores=NS),
    scratch_types=[
        pltpu.VMEM((BPW,), jnp.int32),
        pltpu.VMEM((BPW,), jnp.int32),
        pltpu.VMEM((BPW, EMB), jnp.float32),
        pltpu.VMEM((BPW, EMB), jnp.float32),
        pltpu.VMEM((BPW,), jnp.float32),
        pltpu.SemaphoreType.DMA,
        pltpu.SemaphoreType.DMA,
    ],
    compiler_params=pltpu.CompilerParams(
        needs_layout_passes=False, use_tc_tiling_on_sc=False),
)


@jax.jit
def kernel(P, Q, user_id, book_id):
    return _sc_call(P, Q, user_id.astype(jnp.int32), book_id.astype(jnp.int32))

# --- scband reference (transcript-rebuilt; emitter-appended) ---
"""Pipeline reference for scband-matrix-factorization-57750130262362 (READ-ONLY COPY).

The authoritative reference and input builder live on the scoring server;
editing this copy changes nothing except your own understanding.
"""

import jax, jax.numpy as jnp
import numpy as np

N_USERS = 1000000
N_BOOKS = 1000000
EMB = 64
BATCH = 16384
VAR = 0.1


def setup_inputs(seed: int = 0) -> dict:
    key = jax.random.key(seed)
    k1, k2, k3, k4 = jax.random.split(key, 4)
    P = jax.random.uniform(k1, (N_USERS, EMB), dtype=jnp.float32, minval=0.0, maxval=VAR)
    Q = jax.random.uniform(k2, (N_BOOKS, EMB), dtype=jnp.float32, minval=0.0, maxval=VAR)
    user_id = jax.random.randint(k3, (BATCH,), 0, N_USERS, dtype=jnp.int64) if jax.config.jax_enable_x64 else jax.random.randint(k3, (BATCH,), 0, N_USERS, dtype=jnp.int32)
    book_id = jax.random.randint(k4, (BATCH,), 0, N_BOOKS, dtype=jnp.int32)
    return {"P": P, "Q": Q, "user_id": user_id, "book_id": book_id}


def reference(P, Q, user_id, book_id):
    user_vec = jnp.take(P, user_id, axis=0)
    book_vec = jnp.take(Q, book_id, axis=0)
    out = (user_vec * book_vec).sum(axis=1)
    return out

if __name__ == "__main__":
    import jax
    _d = setup_inputs()
    print(jax.jit(kernel)(*tuple(_d.values())))

</pallas_src>

<mosaic_0001>
#map = affine_map<(d0, d1) -> (0, 0)>
#map1 = affine_map<(d0, d1) -> (0)>
module attributes {stable_mosaic.version = 14 : i64} {
  func.func @_body(%arg0: i32, %arg1: i32, %arg2: memref<1000000x64xf32, #tpu.memory_space<hbm>>, %arg3: memref<1000000x64xf32, #tpu.memory_space<hbm>>, %arg4: memref<16384xi32, #tpu.memory_space<hbm>>, %arg5: memref<16384xi32, #tpu.memory_space<hbm>>, %arg6: memref<16384xf32, #tpu.memory_space<hbm>>, %arg7: memref<512xi32, #tpu.memory_space<vmem>>, %arg8: memref<512xi32, #tpu.memory_space<vmem>>, %arg9: memref<512x64xf32, #tpu.memory_space<vmem>>, %arg10: memref<512x64xf32, #tpu.memory_space<vmem>>, %arg11: memref<512xf32, #tpu.memory_space<vmem>>, %arg12: memref<!tpu.dma_semaphore, #tpu.memory_space<semaphore_mem>>, %arg13: memref<!tpu.dma_semaphore, #tpu.memory_space<semaphore_mem>>) attributes {dimension_semantics = [#tpu.dimension_semantics<core_parallel>, #tpu.dimension_semantics<subcore_parallel>], iteration_bounds = array<i64: 2, 16>, scalar_prefetch = 0 : i64, scratch_operands = 7 : i64, tpu.core_type = #tpu.core_type<sc_vector_subcore>, window_params = [{transform_indices = #map}, {transform_indices = #map}, {transform_indices = #map1}, {transform_indices = #map1}, {transform_indices = #map1}]} {
    %mul3A = arith.constant 2 : i32
    %mul3A_0 = arith.muli %arg1, %mul3A : i32
    %add3A = arith.addi %mul3A_0, %arg0 : i32
    %mul3A_1 = arith.constant 512 : i32
    %mul3A_2 = arith.muli %add3A, %mul3A_1 : i32
    "tpu.region"() ({
      %run_scoped3A = tpu.sem_alloc : memref<!tpu.dma_semaphore, #tpu.memory_space<semaphore_mem>>
      %dma_start3A_19 = tpu.memref_slice %arg4[%mul3A_2] : memref<16384xi32, #tpu.memory_space<hbm>> -> memref<512xi32, #tpu.memory_space<hbm>>
      %dma_start3A_20 = tpu.memref_slice %arg4[%mul3A_2] : memref<16384xi32, #tpu.memory_space<hbm>> -> memref<512xi32, #tpu.memory_space<hbm>>
      tpu.enqueue_dma source(%dma_start3A_20 : memref<512xi32, #tpu.memory_space<hbm>>) target(%arg7 : memref<512xi32, #tpu.memory_space<vmem>>) target_semaphore(%run_scoped3A : memref<!tpu.dma_semaphore, #tpu.memory_space<semaphore_mem>>)
      %dma_wait3A_21 = tpu.memref_slice %arg4[%mul3A_2] : memref<16384xi32, #tpu.memory_space<hbm>> -> memref<512xi32, #tpu.memory_space<hbm>>
      %dma_wait3A_22 = tpu.memref_slice %arg4[%mul3A_2] : memref<16384xi32, #tpu.memory_space<hbm>> -> memref<512xi32, #tpu.memory_space<hbm>>
      tpu.wait_dma2 semaphore(%run_scoped3A : memref<!tpu.dma_semaphore, #tpu.memory_space<semaphore_mem>>) src(%dma_wait3A_22 : memref<512xi32, #tpu.memory_space<hbm>>) dst(%arg7 : memref<512xi32, #tpu.memory_space<vmem>>)
      tpu.yield
    }) : () -> ()
    "tpu.region"() ({
      %run_scoped3A = tpu.sem_alloc : memref<!tpu.dma_semaphore, #tpu.memory_space<semaphore_mem>>
      %dma_start3A_19 = tpu.memref_slice %arg5[%mul3A_2] : memref<16384xi32, #tpu.memory_space<hbm>> -> memref<512xi32, #tpu.memory_space<hbm>>
      %dma_start3A_20 = tpu.memref_slice %arg5[%mul3A_2] : memref<16384xi32, #tpu.memory_space<hbm>> -> memref<512xi32, #tpu.memory_space<hbm>>
      tpu.enqueue_dma source(%dma_start3A_20 : memref<512xi32, #tpu.memory_space<hbm>>) target(%arg8 : memref<512xi32, #tpu.memory_space<vmem>>) target_semaphore(%run_scoped3A : memref<!tpu.dma_semaphore, #tpu.memory_space<semaphore_mem>>)
      %dma_wait3A_21 = tpu.memref_slice %arg5[%mul3A_2] : memref<16384xi32, #tpu.memory_space<hbm>> -> memref<512xi32, #tpu.memory_space<hbm>>
      %dma_wait3A_22 = tpu.memref_slice %arg5[%mul3A_2] : memref<16384xi32, #tpu.memory_space<hbm>> -> memref<512xi32, #tpu.memory_space<hbm>>
      tpu.wait_dma2 semaphore(%run_scoped3A : memref<!tpu.dma_semaphore, #tpu.memory_space<semaphore_mem>>) src(%dma_wait3A_22 : memref<512xi32, #tpu.memory_space<hbm>>) dst(%arg8 : memref<512xi32, #tpu.memory_space<vmem>>)
      tpu.yield
    }) : () -> ()
    %dma_start3A = arith.constant 0 : i32
    %dma_start3A_3 = arith.constant 0 : i32
    %dma_start3A_4 = tpu.memref_slice %arg2[%dma_start3A, %dma_start3A_3] : memref<1000000x64xf32, #tpu.memory_space<hbm>> -> memref<1000000x64xf32, #tpu.memory_space<hbm>>
    tpu.enqueue_indirect_dma source(%dma_start3A_4 : memref<1000000x64xf32, #tpu.memory_space<hbm>>) target(%arg9 : memref<512x64xf32, #tpu.memory_space<vmem>>) offsets(%arg7 : memref<512xi32, #tpu.memory_space<vmem>>) semaphore(%arg12 : memref<!tpu.dma_semaphore, #tpu.memory_space<semaphore_mem>>)
    %dma_start3A_5 = arith.constant 0 : i32
    %dma_start3A_6 = arith.constant 0 : i32
    %dma_start3A_7 = tpu.memref_slice %arg3[%dma_start3A_5, %dma_start3A_6] : memref<1000000x64xf32, #tpu.memory_space<hbm>> -> memref<1000000x64xf32, #tpu.memory_space<hbm>>
    tpu.enqueue_indirect_dma source(%dma_start3A_7 : memref<1000000x64xf32, #tpu.memory_space<hbm>>) target(%arg10 : memref<512x64xf32, #tpu.memory_space<vmem>>) offsets(%arg8 : memref<512xi32, #tpu.memory_space<vmem>>) semaphore(%arg13 : memref<!tpu.dma_semaphore, #tpu.memory_space<semaphore_mem>>)
    %dma_wait3A = arith.constant 0 : i32
    %dma_wait3A_8 = arith.constant 0 : i32
    %dma_wait3A_9 = tpu.memref_slice %arg2[%dma_wait3A, %dma_wait3A_8] : memref<1000000x64xf32, #tpu.memory_space<hbm>> -> memref<1000000x64xf32, #tpu.memory_space<hbm>>
    tpu.wait_indirect_dma semaphore(%arg12 : memref<!tpu.dma_semaphore, #tpu.memory_space<semaphore_mem>>) src(%dma_wait3A_9 : memref<1000000x64xf32, #tpu.memory_space<hbm>>) dst(%arg9 : memref<512x64xf32, #tpu.memory_space<vmem>>)
    %dma_wait3A_10 = arith.constant 0 : i32
    %dma_wait3A_11 = arith.constant 0 : i32
    %dma_wait3A_12 = tpu.memref_slice %arg3[%dma_wait3A_10, %dma_wait3A_11] : memref<1000000x64xf32, #tpu.memory_space<hbm>> -> memref<1000000x64xf32, #tpu.memory_space<hbm>>
    tpu.wait_indirect_dma semaphore(%arg13 : memref<!tpu.dma_semaphore, #tpu.memory_space<semaphore_mem>>) src(%dma_wait3A_12 : memref<1000000x64xf32, #tpu.memory_space<hbm>>) dst(%arg10 : memref<512x64xf32, #tpu.memory_space<vmem>>)
    %iota3A = tpu.iota {dimensions = array<i32: 0>} : vector<16xi32>
    %scan3A = arith.constant 0 : i32
    %scan3A_13 = arith.constant 0 : i32
    %scan3A_14 = arith.constant 32 : i32
    %scan3A_15 = arith.addi %scan3A_13, %scan3A_14 : i32
    %scan3A_16 = arith.constant 1 : i32
    %scan3A_17 = scf.for %scan3A_19 = %scan3A_13 to %scan3A_15 step %scan3A_16 iter_args(%scan3A_20 = %scan3A) -> (i32)  : i32 {
      %broadcast_in_dim3A = arith.constant 0.000000e+00 : f32
      %broadcast_in_dim3A_21 = vector.broadcast %broadcast_in_dim3A : f32 to vector<16xf32>
      %mul3A_22 = arith.constant 16 : i32
      %mul3A_23 = arith.muli %scan3A_19, %mul3A_22 : i32
      %add3A_24 = arith.constant 0 : i32
      %add3A_25 = arith.addi %mul3A_23, %add3A_24 : i32
      %get3A = arith.index_cast %add3A_25 : i32 to index
      %get3A_26 = arith.constant 0 : index
      %get3A_27 = tpu.vector_load %arg9[%get3A, %get3A_26] {strides = array<i32>} : memref<512x64xf32, #tpu.memory_space<vmem>>, vector<16xf32>,
      %get3A_28 = arith.index_cast %add3A_25 : i32 to index
      %get3A_29 = arith.constant 0 : index
      %get3A_30 = tpu.vector_load %arg10[%get3A_28, %get3A_29] {strides = array<i32>} : memref<512x64xf32, #tpu.memory_space<vmem>>, vector<16xf32>,
      %mul3A_31 = arith.mulf %get3A_27, %get3A_30 : vector<16xf32>
      %get3A_32 = arith.index_cast %add3A_25 : i32 to index
      %get3A_33 = arith.constant 16 : index
      %get3A_34 = tpu.vector_load %arg9[%get3A_32, %get3A_33] {strides = array<i32>} : memref<512x64xf32, #tpu.memory_space<vmem>>, vector<16xf32>,
      %get3A_35 = arith.index_cast %add3A_25 : i32 to index
      %get3A_36 = arith.constant 16 : index
      %get3A_37 = tpu.vector_load %arg10[%get3A_35, %get3A_36] {strides = array<i32>} : memref<512x64xf32, #tpu.memory_space<vmem>>, vector<16xf32>,
      %mul3A_38 = arith.mulf %get3A_34, %get3A_37 : vector<16xf32>
      %add3A_39 = arith.addf %mul3A_31, %mul3A_38 : vector<16xf32>
      %get3A_40 = arith.index_cast %add3A_25 : i32 to index
      %get3A_41 = arith.constant 32 : index
      %get3A_42 = tpu.vector_load %arg9[%get3A_40, %get3A_41] {strides = array<i32>} : memref<512x64xf32, #tpu.memory_space<vmem>>, vector<16xf32>,
      %get3A_43 = arith.index_cast %add3A_25 : i32 to index
      %get3A_44 = arith.constant 32 : index
      %get3A_45 = tpu.vector_load %arg10[%get3A_43, %get3A_44] {strides = array<i32>} : memref<512x64xf32, #tpu.memory_space<vmem>>, vector<16xf32>,
      %mul3A_46 = arith.mulf %get3A_42, %get3A_45 : vector<16xf32>
      %add3A_47 = arith.addf %add3A_39, %mul3A_46 : vector<16xf32>
      %get3A_48 = arith.index_cast %add3A_25 : i32 to index
      %get3A_49 = arith.constant 48 : index
      %get3A_50 = tpu.vector_load %arg9[%get3A_48, %get3A_49] {strides = array<i32>} : memref<512x64xf32, #tpu.memory_space<vmem>>, vector<16xf32>,
      %get3A_51 = arith.index_cast %add3A_25 : i32 to index
      %get3A_52 = arith.constant 48 : index
      %get3A_53 = tpu.vector_load %arg10[%get3A_51, %get3A_52] {strides = array<i32>} : memref<512x64xf32, #tpu.memory_space<vmem>>, vector<16xf32>,
      %mul3A_54 = arith.mulf %get3A_50, %get3A_53 : vector<16xf32>
      %add3A_55 = arith.addf %add3A_47, %mul3A_54 : vector<16xf32>
      %eq3A = arith.constant 0 : i32
      %eq3A_56 = vector.broadcast %eq3A : i32 to vector<16xi32>
      %eq3A_57 = arith.cmpi eq, %iota3A, %eq3A_56 : vector<16xi32>
      %reduce_sum3A = arith.constant true
      %reduce_sum3A_58 = vector.broadcast %reduce_sum3A : i1 to vector<16xi1>
      %reduce_sum3A_59 = tpu.scan <sum>, %add3A_55 masked %reduce_sum3A_58 : vector<16xf32>, vector<16xi1> -> vector<16xf32>
      %reduce_sum3A_60 = vector.extract %reduce_sum3A_59[15] : f32 from vector<16xf32>
      %broadcast_in_dim3A_61 = vector.broadcast %reduce_sum3A_60 : f32 to vector<16xf32>
      %select_n3A = arith.select %eq3A_57, %broadcast_in_dim3A_61, %broadcast_in_dim3A_21 : vector<16xi1>, vector<16xf32>
      %mul3A_62 = arith.constant 16 : i32
      %mul3A_63 = arith.muli %scan3A_19, %mul3A_62 : i32
      %add3A_64 = arith.constant 1 : i32
      %add3A_65 = arith.addi %mul3A_63, %add3A_64 : i32
      %get3A_66 = arith.index_cast %add3A_65 : i32 to index
      %get3A_67 = arith.constant 0 : index
      %get3A_68 = tpu.vector_load %arg9[%get3A_66, %get3A_67] {strides = array<i32>} : memref<512x64xf32, #tpu.memory_space<vmem>>, vector<16xf32>,
      %get3A_69 = arith.index_cast %add3A_65 : i32 to index
      %get3A_70 = arith.constant 0 : index
      %get3A_71 = tpu.vector_load %arg10[%get3A_69, %get3A_70] {strides = array<i32>} : memref<512x64xf32, #tpu.memory_space<vmem>>, vector<16xf32>,
      %mul3A_72 = arith.mulf %get3A_68, %get3A_71 : vector<16xf32>
      %get3A_73 = arith.index_cast %add3A_65 : i32 to index
      %get3A_74 = arith.constant 16 : index
      %get3A_75 = tpu.vector_load %arg9[%get3A_73, %get3A_74] {strides = array<i32>} : memref<512x64xf32, #tpu.memory_space<vmem>>, vector<16xf32>,
      %get3A_76 = arith.index_cast %add3A_65 : i32 to index
      %get3A_77 = arith.constant 16 : index
      %get3A_78 = tpu.vector_load %arg10[%get3A_76, %get3A_77] {strides = array<i32>} : memref<512x64xf32, #tpu.memory_space<vmem>>, vector<16xf32>,
      %mul3A_79 = arith.mulf %get3A_75, %get3A_78 : vector<16xf32>
      %add3A_80 = arith.addf %mul3A_72, %mul3A_79 : vector<16xf32>
      %get3A_81 = arith.index_cast %add3A_65 : i32 to index
      %get3A_82 = arith.constant 32 : index
      %get3A_83 = tpu.vector_load %arg9[%get3A_81, %get3A_82] {strides = array<i32>} : memref<512x64xf32, #tpu.memory_space<vmem>>, vector<16xf32>,
      %get3A_84 = arith.index_cast %add3A_65 : i32 to index
      %get3A_85 = arith.constant 32 : index
      %get3A_86 = tpu.vector_load %arg10[%get3A_84, %get3A_85] {strides = array<i32>} : memref<512x64xf32, #tpu.memory_space<vmem>>, vector<16xf32>,
      %mul3A_87 = arith.mulf %get3A_83, %get3A_86 : vector<16xf32>
      %add3A_88 = arith.addf %add3A_80, %mul3A_87 : vector<16xf32>
      %get3A_89 = arith.index_cast %add3A_65 : i32 to index
      %get3A_90 = arith.constant 48 : index
      %get3A_91 = tpu.vector_load %arg9[%get3A_89, %get3A_90] {strides = array<i32>} : memref<512x64xf32, #tpu.memory_space<vmem>>, vector<16xf32>,
      %get3A_92 = arith.index_cast %add3A_65 : i32 to index
      %get3A_93 = arith.constant 48 : index
      %get3A_94 = tpu.vector_load %arg10[%get3A_92, %get3A_93] {strides = array<i32>} : memref<512x64xf32, #tpu.memory_space<vmem>>, vector<16xf32>,
      %mul3A_95 = arith.mulf %get3A_91, %get3A_94 : vector<16xf32>
      %add3A_96 = arith.addf %add3A_88, %mul3A_95 : vector<16xf32>
      %eq3A_97 = arith.constant 1 : i32
      %eq3A_98 = vector.broadcast %eq3A_97 : i32 to vector<16xi32>
      %eq3A_99 = arith.cmpi eq, %iota3A, %eq3A_98 : vector<16xi32>
      %reduce_sum3A_100 = arith.constant true
      %reduce_sum3A_101 = vector.broadcast %reduce_sum3A_100 : i1 to vector<16xi1>
      %reduce_sum3A_102 = tpu.scan <sum>, %add3A_96 masked %reduce_sum3A_101 : vector<16xf32>, vector<16xi1> -> vector<16xf32>
      %reduce_sum3A_103 = vector.extract %reduce_sum3A_102[15] : f32 from vector<16xf32>
      %broadcast_in_dim3A_104 = vector.broadcast %reduce_sum3A_103 : f32 to vector<16xf32>
      %select_n3A_105 = arith.select %eq3A_99, %broadcast_in_dim3A_104, %select_n3A : vector<16xi1>, vector<16xf32>
      %mul3A_106 = arith.constant 16 : i32
      %mul3A_107 = arith.muli %scan3A_19, %mul3A_106 : i32
      %add3A_108 = arith.constant 2 : i32
      %add3A_109 = arith.addi %mul3A_107, %add3A_108 : i32
      %get3A_110 = arith.index_cast %add3A_109 : i32 to index
      %get3A_111 = arith.constant 0 : index
      %get3A_112 = tpu.vector_load %arg9[%get3A_110, %get3A_111] {strides = array<i32>} : memref<512x64xf32, #tpu.memory_space<vmem>>, vector<16xf32>,
      %get3A_113 = arith.index_cast %add3A_109 : i32 to index
      %get3A_114 = arith.constant 0 : index
      %get3A_115 = tpu.vector_load %arg10[%get3A_113, %get3A_114] {strides = array<i32>} : memref<512x64xf32, #tpu.memory_space<vmem>>, vector<16xf32>,
      %mul3A_116 = arith.mulf %get3A_112, %get3A_115 : vector<16xf32>
      %get3A_117 = arith.index_cast %add3A_109 : i32 to index
      %get3A_118 = arith.constant 16 : index
      %get3A_119 = tpu.vector_load %arg9[%get3A_117, %get3A_118] {strides = array<i32>} : memref<512x64xf32, #tpu.memory_space<vmem>>, vector<16xf32>,
      %get3A_120 = arith.index_cast %add3A_109 : i32 to index
      %get3A_121 = arith.constant 16 : index
      %get3A_122 = tpu.vector_load %arg10[%get3A_120, %get3A_121] {strides = array<i32>} : memref<512x64xf32, #tpu.memory_space<vmem>>, vector<16xf32>,
      %mul3A_123 = arith.mulf %get3A_119, %get3A_122 : vector<16xf32>
      %add3A_124 = arith.addf %mul3A_116, %mul3A_123 : vector<16xf32>
      %get3A_125 = arith.index_cast %add3A_109 : i32 to index
      %get3A_126 = arith.constant 32 : index
      %get3A_127 = tpu.vector_load %arg9[%get3A_125, %get3A_126] {strides = array<i32>} : memref<512x64xf32, #tpu.memory_space<vmem>>, vector<16xf32>,
      %get3A_128 = arith.index_cast %add3A_109 : i32 to index
      %get3A_129 = arith.constant 32 : index
      %get3A_130 = tpu.vector_load %arg10[%get3A_128, %get3A_129] {strides = array<i32>} : memref<512x64xf32, #tpu.memory_space<vmem>>, vector<16xf32>,
      %mul3A_131 = arith.mulf %get3A_127, %get3A_130 : vector<16xf32>
      %add3A_132 = arith.addf %add3A_124, %mul3A_131 : vector<16xf32>
      %get3A_133 = arith.index_cast %add3A_109 : i32 to index
      %get3A_134 = arith.constant 48 : index
      %get3A_135 = tpu.vector_load %arg9[%get3A_133, %get3A_134] {strides = array<i32>} : memref<512x64xf32, #tpu.memory_space<vmem>>, vector<16xf32>,
      %get3A_136 = arith.index_cast %add3A_109 : i32 to index
      %get3A_137 = arith.constant 48 : index
      %get3A_138 = tpu.vector_load %arg10[%get3A_136, %get3A_137] {strides = array<i32>} : memref<512x64xf32, #tpu.memory_space<vmem>>, vector<16xf32>,
      %mul3A_139 = arith.mulf %get3A_135, %get3A_138 : vector<16xf32>
      %add3A_140 = arith.addf %add3A_132, %mul3A_139 : vector<16xf32>
      %eq3A_141 = arith.constant 2 : i32
      %eq3A_142 = vector.broadcast %eq3A_141 : i32 to vector<16xi32>
      %eq3A_143 = arith.cmpi eq, %iota3A, %eq3A_142 : vector<16xi32>
      %reduce_sum3A_144 = arith.constant true
      %reduce_sum3A_145 = vector.broadcast %reduce_sum3A_144 : i1 to vector<16xi1>
      %reduce_sum3A_146 = tpu.scan <sum>, %add3A_140 masked %reduce_sum3A_145 : vector<16xf32>, vector<16xi1> -> vector<16xf32>
      %reduce_sum3A_147 = vector.extract %reduce_sum3A_146[15] : f32 from vector<16xf32>
      %broadcast_in_dim3A_148 = vector.broadcast %reduce_sum3A_147 : f32 to vector<16xf32>
      %select_n3A_149 = arith.select %eq3A_143, %broadcast_in_dim3A_148, %select_n3A_105 : vector<16xi1>, vector<16xf32>
      %mul3A_150 = arith.constant 16 : i32
      %mul3A_151 = arith.muli %scan3A_19, %mul3A_150 : i32
      %add3A_152 = arith.constant 3 : i32
      %add3A_153 = arith.addi %mul3A_151, %add3A_152 : i32
      %get3A_154 = arith.index_cast %add3A_153 : i32 to index
      %get3A_155 = arith.constant 0 : index
      %get3A_156 = tpu.vector_load %arg9[%get3A_154, %get3A_155] {strides = array<i32>} : memref<512x64xf32, #tpu.memory_space<vmem>>, vector<16xf32>,
      %get3A_157 = arith.index_cast %add3A_153 : i32 to index
      %get3A_158 = arith.constant 0 : index
      %get3A_159 = tpu.vector_load %arg10[%get3A_157, %get3A_158] {strides = array<i32>} : memref<512x64xf32, #tpu.memory_space<vmem>>, vector<16xf32>,
      %mul3A_160 = arith.mulf %get3A_156, %get3A_159 : vector<16xf32>
      %get3A_161 = arith.index_cast %add3A_153 : i32 to index
      %get3A_162 = arith.constant 16 : index
      %get3A_163 = tpu.vector_load %arg9[%get3A_161, %get3A_162] {strides = array<i32>} : memref<512x64xf32, #tpu.memory_space<vmem>>, vector<16xf32>,
      %get3A_164 = arith.index_cast %add3A_153 : i32 to index
      %get3A_165 = arith.constant 16 : index
      %get3A_166 = tpu.vector_load %arg10[%get3A_164, %get3A_165] {strides = array<i32>} : memref<512x64xf32, #tpu.memory_space<vmem>>, vector<16xf32>,
      %mul3A_167 = arith.mulf %get3A_163, %get3A_166 : vector<16xf32>
      %add3A_168 = arith.addf %mul3A_160, %mul3A_167 : vector<16xf32>
      %get3A_169 = arith.index_cast %add3A_153 : i32 to index
      %get3A_170 = arith.constant 32 : index
      %get3A_171 = tpu.vector_load %arg9[%get3A_169, %get3A_170] {strides = array<i32>} : memref<512x64xf32, #tpu.memory_space<vmem>>, vector<16xf32>,
      %get3A_172 = arith.index_cast %add3A_153 : i32 to index
      %get3A_173 = arith.constant 32 : index
      %get3A_174 = tpu.vector_load %arg10[%get3A_172, %get3A_173] {strides = array<i32>} : memref<512x64xf32, #tpu.memory_space<vmem>>, vector<16xf32>,
      %mul3A_175 = arith.mulf %get3A_171, %get3A_174 : vector<16xf32>
      %add3A_176 = arith.addf %add3A_168, %mul3A_175 : vector<16xf32>
      %get3A_177 = arith.index_cast %add3A_153 : i32 to index
      %get3A_178 = arith.constant 48 : index
      %get3A_179 = tpu.vector_load %arg9[%get3A_177, %get3A_178] {strides = array<i32>} : memref<512x64xf32, #tpu.memory_space<vmem>>, vector<16xf32>,
      %get3A_180 = arith.index_cast %add3A_153 : i32 to index
      %get3A_181 = arith.constant 48 : index
      %get3A_182 = tpu.vector_load %arg10[%get3A_180, %get3A_181] {strides = array<i32>} : memref<512x64xf32, #tpu.memory_space<vmem>>, vector<16xf32>,
      %mul3A_183 = arith.mulf %get3A_179, %get3A_182 : vector<16xf32>
      %add3A_184 = arith.addf %add3A_176, %mul3A_183 : vector<16xf32>
      %eq3A_185 = arith.constant 3 : i32
      %eq3A_186 = vector.broadcast %eq3A_185 : i32 to vector<16xi32>
      %eq3A_187 = arith.cmpi eq, %iota3A, %eq3A_186 : vector<16xi32>
      %reduce_sum3A_188 = arith.constant true
      %reduce_sum3A_189 = vector.broadcast %reduce_sum3A_188 : i1 to vector<16xi1>
      %reduce_sum3A_190 = tpu.scan <sum>, %add3A_184 masked %reduce_sum3A_189 : vector<16xf32>, vector<16xi1> -> vector<16xf32>
      %reduce_sum3A_191 = vector.extract %reduce_sum3A_190[15] : f32 from vector<16xf32>
      %broadcast_in_dim3A_192 = vector.broadcast %reduce_sum3A_191 : f32 to vector<16xf32>
      %select_n3A_193 = arith.select %eq3A_187, %broadcast_in_dim3A_192, %select_n3A_149 : vector<16xi1>, vector<16xf32>
      %mul3A_194 = arith.constant 16 : i32
      %mul3A_195 = arith.muli %scan3A_19, %mul3A_194 : i32
      %add3A_196 = arith.constant 4 : i32
      %add3A_197 = arith.addi %mul3A_195, %add3A_196 : i32
      %get3A_198 = arith.index_cast %add3A_197 : i32 to index
      %get3A_199 = arith.constant 0 : index
      %get3A_200 = tpu.vector_load %arg9[%get3A_198, %get3A_199] {strides = array<i32>} : memref<512x64xf32, #tpu.memory_space<vmem>>, vector<16xf32>,
      %get3A_201 = arith.index_cast %add3A_197 : i32 to index
      %get3A_202 = arith.constant 0 : index
      %get3A_203 = tpu.vector_load %arg10[%get3A_201, %get3A_202] {strides = array<i32>} : memref<512x64xf32, #tpu.memory_space<vmem>>, vector<16xf32>,
      %mul3A_204 = arith.mulf %get3A_200, %get3A_203 : vector<16xf32>
      %get3A_205 = arith.index_cast %add3A_197 : i32 to index
      %get3A_206 = arith.constant 16 : index
      %get3A_207 = tpu.vector_load %arg9[%get3A_205, %get3A_206] {strides = array<i32>} : memref<512x64xf32, #tpu.memory_space<vmem>>, vector<16xf32>,
      %get3A_208 = arith.index_cast %add3A_197 : i32 to index
      %get3A_209 = arith.constant 16 : index
      %get3A_210 = tpu.vector_load %arg10[%get3A_208, %get3A_209] {strides = array<i32>} : memref<512x64xf32, #tpu.memory_space<vmem>>, vector<16xf32>,
      %mul3A_211 = arith.mulf %get3A_207, %get3A_210 : vector<16xf32>
      %add3A_212 = arith.addf %mul3A_204, %mul3A_211 : vector<16xf32>
      %get3A_213 = arith.index_cast %add3A_197 : i32 to index
      %get3A_214 = arith.constant 32 : index
      %get3A_215 = tpu.vector_load %arg9[%get3A_213, %get3A_214] {strides = array<i32>} : memref<512x64xf32, #tpu.memory_space<vmem>>, vector<16xf32>,
      %get3A_216 = arith.index_cast %add3A_197 : i32 to index
      %get3A_217 = arith.constant 32 : index
      %get3A_218 = tpu.vector_load %arg10[%get3A_216, %get3A_217] {strides = array<i32>} : memref<512x64xf32, #tpu.memory_space<vmem>>, vector<16xf32>,
      %mul3A_219 = arith.mulf %get3A_215, %get3A_218 : vector<16xf32>
      %add3A_220 = arith.addf %add3A_212, %mul3A_219 : vector<16xf32>
      %get3A_221 = arith.index_cast %add3A_197 : i32 to index
      %get3A_222 = arith.constant 48 : index
      %get3A_223 = tpu.vector_load %arg9[%get3A_221, %get3A_222] {strides = array<i32>} : memref<512x64xf32, #tpu.memory_space<vmem>>, vector<16xf32>,
      %get3A_224 = arith.index_cast %add3A_197 : i32 to index
      %get3A_225 = arith.constant 48 : index
      %get3A_226 = tpu.vector_load %arg10[%get3A_224, %get3A_225] {strides = array<i32>} : memref<512x64xf32, #tpu.memory_space<vmem>>, vector<16xf32>,
      %mul3A_227 = arith.mulf %get3A_223, %get3A_226 : vector<16xf32>
      %add3A_228 = arith.addf %add3A_220, %mul3A_227 : vector<16xf32>
      %eq3A_229 = arith.constant 4 : i32
      %eq3A_230 = vector.broadcast %eq3A_229 : i32 to vector<16xi32>
      %eq3A_231 = arith.cmpi eq, %iota3A, %eq3A_230 : vector<16xi32>
      %reduce_sum3A_232 = arith.constant true
      %reduce_sum3A_233 = vector.broadcast %reduce_sum3A_232 : i1 to vector<16xi1>
      %reduce_sum3A_234 = tpu.scan <sum>, %add3A_228 masked %reduce_sum3A_233 : vector<16xf32>, vector<16xi1> -> vector<16xf32>
      %reduce_sum3A_235 = vector.extract %reduce_sum3A_234[15] : f32 from vector<16xf32>
      %broadcast_in_dim3A_236 = vector.broadcast %reduce_sum3A_235 : f32 to vector<16xf32>
      %select_n3A_237 = arith.select %eq3A_231, %broadcast_in_dim3A_236, %select_n3A_193 : vector<16xi1>, vector<16xf32>
      %mul3A_238 = arith.constant 16 : i32
      %mul3A_239 = arith.muli %scan3A_19, %mul3A_238 : i32
      %add3A_240 = arith.constant 5 : i32
      %add3A_241 = arith.addi %mul3A_239, %add3A_240 : i32
      %get3A_242 = arith.index_cast %add3A_241 : i32 to index
      %get3A_243 = arith.constant 0 : index
      %get3A_244 = tpu.vector_load %arg9[%get3A_242, %get3A_243] {strides = array<i32>} : memref<512x64xf32, #tpu.memory_space<vmem>>, vector<16xf32>,
      %get3A_245 = arith.index_cast %add3A_241 : i32 to index
      %get3A_246 = arith.constant 0 : index
      %get3A_247 = tpu.vector_load %arg10[%get3A_245, %get3A_246] {strides = array<i32>} : memref<512x64xf32, #tpu.memory_space<vmem>>, vector<16xf32>,
      %mul3A_248 = arith.mulf %get3A_244, %get3A_247 : vector<16xf32>
      %get3A_249 = arith.index_cast %add3A_241 : i32 to index
      %get3A_250 = arith.constant 16 : index
      %get3A_251 = tpu.vector_load %arg9[%get3A_249, %get3A_250] {strides = array<i32>} : memref<512x64xf32, #tpu.memory_space<vmem>>, vector<16xf32>,
      %get3A_252 = arith.index_cast %add3A_241 : i32 to index
      %get3A_253 = arith.constant 16 : index
      %get3A_254 = tpu.vector_load %arg10[%get3A_252, %get3A_253] {strides = array<i32>} : memref<512x64xf32, #tpu.memory_space<vmem>>, vector<16xf32>,
      %mul3A_255 = arith.mulf %get3A_251, %get3A_254 : vector<16xf32>
      %add3A_256 = arith.addf %mul3A_248, %mul3A_255 : vector<16xf32>
      %get3A_257 = arith.index_cast %add3A_241 : i32 to index
      %get3A_258 = arith.constant 32 : index
      %get3A_259 = tpu.vector_load %arg9[%get3A_257, %get3A_258] {strides = array<i32>} : memref<512x64xf32, #tpu.memory_space<vmem>>, vector<16xf32>,
      %get3A_260 = arith.index_cast %add3A_241 : i32 to index
      %get3A_261 = arith.constant 32 : index
      %get3A_262 = tpu.vector_load %arg10[%get3A_260, %get3A_261] {strides = array<i32>} : memref<512x64xf32, #tpu.memory_space<vmem>>, vector<16xf32>,
      %mul3A_263 = arith.mulf %get3A_259, %get3A_262 : vector<16xf32>
      %add3A_264 = arith.addf %add3A_256, %mul3A_263 : vector<16xf32>
      %get3A_265 = arith.index_cast %add3A_241 : i32 to index
      %get3A_266 = arith.constant 48 : index
      %get3A_267 = tpu.vector_load %arg9[%get3A_265, %get3A_266] {strides = array<i32>} : memref<512x64xf32, #tpu.memory_space<vmem>>, vector<16xf32>,
      %get3A_268 = arith.index_cast %add3A_241 : i32 to index
      %get3A_269 = arith.constant 48 : index
      %get3A_270 = tpu.vector_load %arg10[%get3A_268, %get3A_269] {strides = array<i32>} : memref<512x64xf32, #tpu.memory_space<vmem>>, vector<16xf32>,
      %mul3A_271 = arith.mulf %get3A_267, %get3A_270 : vector<16xf32>
      %add3A_272 = arith.addf %add3A_264, %mul3A_271 : vector<16xf32>
      %eq3A_273 = arith.constant 5 : i32
      %eq3A_274 = vector.broadcast %eq3A_273 : i32 to vector<16xi32>
      %eq3A_275 = arith.cmpi eq, %iota3A, %eq3A_274 : vector<16xi32>
      %reduce_sum3A_276 = arith.constant true
      %reduce_sum3A_277 = vector.broadcast %reduce_sum3A_276 : i1 to vector<16xi1>
      %reduce_sum3A_278 = tpu.scan <sum>, %add3A_272 masked %reduce_sum3A_277 : vector<16xf32>, vector<16xi1> -> vector<16xf32>
      %reduce_sum3A_279 = vector.extract %reduce_sum3A_278[15] : f32 from vector<16xf32>
      %broadcast_in_dim3A_280 = vector.broadcast %reduce_sum3A_279 : f32 to vector<16xf32>
      %select_n3A_281 = arith.select %eq3A_275, %broadcast_in_dim3A_280, %select_n3A_237 : vector<16xi1>, vector<16xf32>
      %mul3A_282 = arith.constant 16 : i32
      %mul3A_283 = arith.muli %scan3A_19, %mul3A_282 : i32
      %add3A_284 = arith.constant 6 : i32
      %add3A_285 = arith.addi %mul3A_283, %add3A_284 : i32
      %get3A_286 = arith.index_cast %add3A_285 : i32 to index
      %get3A_287 = arith.constant 0 : index
      %get3A_288 = tpu.vector_load %arg9[%get3A_286, %get3A_287] {strides = array<i32>} : memref<512x64xf32, #tpu.memory_space<vmem>>, vector<16xf32>,
      %get3A_289 = arith.index_cast %add3A_285 : i32 to index
      %get3A_290 = arith.constant 0 : index
      %get3A_291 = tpu.vector_load %arg10[%get3A_289, %get3A_290] {strides = array<i32>} : memref<512x64xf32, #tpu.memory_space<vmem>>, vector<16xf32>,
      %mul3A_292 = arith.mulf %get3A_288, %get3A_291 : vector<16xf32>
      %get3A_293 = arith.index_cast %add3A_285 : i32 to index
      %get3A_294 = arith.constant 16 : index
      %get3A_295 = tpu.vector_load %arg9[%get3A_293, %get3A_294] {strides = array<i32>} : memref<512x64xf32, #tpu.memory_space<vmem>>, vector<16xf32>,
      %get3A_296 = arith.index_cast %add3A_285 : i32 to index
      %get3A_297 = arith.constant 16 : index
      %get3A_298 = tpu.vector_load %arg10[%get3A_296, %get3A_297] {strides = array<i32>} : memref<512x64xf32, #tpu.memory_space<vmem>>, vector<16xf32>,
      %mul3A_299 = arith.mulf %get3A_295, %get3A_298 : vector<16xf32>
      %add3A_300 = arith.addf %mul3A_292, %mul3A_299 : vector<16xf32>
      %get3A_301 = arith.index_cast %add3A_285 : i32 to index
      %get3A_302 = arith.constant 32 : index
      %get3A_303 = tpu.vector_load %arg9[%get3A_301, %get3A_302] {strides = array<i32>} : memref<512x64xf32, #tpu.memory_space<vmem>>, vector<16xf32>,
      %get3A_304 = arith.index_cast %add3A_285 : i32 to index
      %get3A_305 = arith.constant 32 : index
      %get3A_306 = tpu.vector_load %arg10[%get3A_304, %get3A_305] {strides = array<i32>} : memref<512x64xf32, #tpu.memory_space<vmem>>, vector<16xf32>,
      %mul3A_307 = arith.mulf %get3A_303, %get3A_306 : vector<16xf32>
      %add3A_308 = arith.addf %add3A_300, %mul3A_307 : vector<16xf32>
      %get3A_309 = arith.index_cast %add3A_285 : i32 to index
      %get3A_310 = arith.constant 48 : index
      %get3A_311 = tpu.vector_load %arg9[%get3A_309, %get3A_310] {strides = array<i32>} : memref<512x64xf32, #tpu.memory_space<vmem>>, vector<16xf32>,
      %get3A_312 = arith.index_cast %add3A_285 : i32 to index
      %get3A_313 = arith.constant 48 : index
      %get3A_314 = tpu.vector_load %arg10[%get3A_312, %get3A_313] {strides = array<i32>} : memref<512x64xf32, #tpu.memory_space<vmem>>, vector<16xf32>,
      %mul3A_315 = arith.mulf %get3A_311, %get3A_314 : vector<16xf32>
      %add3A_316 = arith.addf %add3A_308, %mul3A_315 : vector<16xf32>
      %eq3A_317 = arith.constant 6 : i32
      %eq3A_318 = vector.broadcast %eq3A_317 : i32 to vector<16xi32>
      %eq3A_319 = arith.cmpi eq, %iota3A, %eq3A_318 : vector<16xi32>
      %reduce_sum3A_320 = arith.constant true
      %reduce_sum3A_321 = vector.broadcast %reduce_sum3A_320 : i1 to vector<16xi1>
      %reduce_sum3A_322 = tpu.scan <sum>, %add3A_316 masked %reduce_sum3A_321 : vector<16xf32>, vector<16xi1> -> vector<16xf32>
      %reduce_sum3A_323 = vector.extract %reduce_sum3A_322[15] : f32 from vector<16xf32>
      %broadcast_in_dim3A_324 = vector.broadcast %reduce_sum3A_323 : f32 to vector<16xf32>
      %select_n3A_325 = arith.select %eq3A_319, %broadcast_in_dim3A_324, %select_n3A_281 : vector<16xi1>, vector<16xf32>
      %mul3A_326 = arith.constant 16 : i32
      %mul3A_327 = arith.muli %scan3A_19, %mul3A_326 : i32
      %add3A_328 = arith.constant 7 : i32
      %add3A_329 = arith.addi %mul3A_327, %add3A_328 : i32
      %get3A_330 = arith.index_cast %add3A_329 : i32 to index
      %get3A_331 = arith.constant 0 : index
      %get3A_332 = tpu.vector_load %arg9[%get3A_330, %get3A_331] {strides = array<i32>} : memref<512x64xf32, #tpu.memory_space<vmem>>, vector<16xf32>,
      %get3A_333 = arith.index_cast %add3A_329 : i32 to index
      %get3A_334 = arith.constant 0 : index
      %get3A_335 = tpu.vector_load %arg10[%get3A_333, %get3A_334] {strides = array<i32>} : memref<512x64xf32, #tpu.memory_space<vmem>>, vector<16xf32>,
      %mul3A_336 = arith.mulf %get3A_332, %get3A_335 : vector<16xf32>
      %get3A_337 = arith.index_cast %add3A_329 : i32 to index
      %get3A_338 = arith.constant 16 : index
      %get3A_339 = tpu.vector_load %arg9[%get3A_337, %get3A_338] {strides = array<i32>} : memref<512x64xf32, #tpu.memory_space<vmem>>, vector<16xf32>,
      %get3A_340 = arith.index_cast %add3A_329 : i32 to index
      %get3A_341 = arith.constant 16 : index
      %get3A_342 = tpu.vector_load %arg10[%get3A_340, %get3A_341] {strides = array<i32>} : memref<512x64xf32, #tpu.memory_space<vmem>>, vector<16xf32>,
      %mul3A_343 = arith.mulf %get3A_339, %get3A_342 : vector<16xf32>
      %add3A_344 = arith.addf %mul3A_336, %mul3A_343 : vector<16xf32>
      %get3A_345 = arith.index_cast %add3A_329 : i32 to index
      %get3A_346 = arith.constant 32 : index
      %get3A_347 = tpu.vector_load %arg9[%get3A_345, %get3A_346] {strides = array<i32>} : memref<512x64xf32, #tpu.memory_space<vmem>>, vector<16xf32>,
      %get3A_348 = arith.index_cast %add3A_329 : i32 to index
      %get3A_349 = arith.constant 32 : index
      %get3A_350 = tpu.vector_load %arg10[%get3A_348, %get3A_349] {strides = array<i32>} : memref<512x64xf32, #tpu.memory_space<vmem>>, vector<16xf32>,
      %mul3A_351 = arith.mulf %get3A_347, %get3A_350 : vector<16xf32>
      %add3A_352 = arith.addf %add3A_344, %mul3A_351 : vector<16xf32>
      %get3A_353 = arith.index_cast %add3A_329 : i32 to index
      %get3A_354 = arith.constant 48 : index
      %get3A_355 = tpu.vector_load %arg9[%get3A_353, %get3A_354] {strides = array<i32>} : memref<512x64xf32, #tpu.memory_space<vmem>>, vector<16xf32>,
      %get3A_356 = arith.index_cast %add3A_329 : i32 to index
      %get3A_357 = arith.constant 48 : index
      %get3A_358 = tpu.vector_load %arg10[%get3A_356, %get3A_357] {strides = array<i32>} : memref<512x64xf32, #tpu.memory_space<vmem>>, vector<16xf32>,
      %mul3A_359 = arith.mulf %get3A_355, %get3A_358 : vector<16xf32>
      %add3A_360 = arith.addf %add3A_352, %mul3A_359 : vector<16xf32>
      %eq3A_361 = arith.constant 7 : i32
      %eq3A_362 = vector.broadcast %eq3A_361 : i32 to vector<16xi32>
      %eq3A_363 = arith.cmpi eq, %iota3A, %eq3A_362 : vector<16xi32>
      %reduce_sum3A_364 = arith.constant true
      %reduce_sum3A_365 = vector.broadcast %reduce_sum3A_364 : i1 to vector<16xi1>
      %reduce_sum3A_366 = tpu.scan <sum>, %add3A_360 masked %reduce_sum3A_365 : vector<16xf32>, vector<16xi1> -> vector<16xf32>
      %reduce_sum3A_367 = vector.extract %reduce_sum3A_366[15] : f32 from vector<16xf32>
      %broadcast_in_dim3A_368 = vector.broadcast %reduce_sum3A_367 : f32 to vector<16xf32>
      %select_n3A_369 = arith.select %eq3A_363, %broadcast_in_dim3A_368, %select_n3A_325 : vector<16xi1>, vector<16xf32>
      %mul3A_370 = arith.constant 16 : i32
      %mul3A_371 = arith.muli %scan3A_19, %mul3A_370 : i32
      %add3A_372 = arith.constant 8 : i32
      %add3A_373 = arith.addi %mul3A_371, %add3A_372 : i32
      %get3A_374 = arith.index_cast %add3A_373 : i32 to index
      %get3A_375 = arith.constant 0 : index
      %get3A_376 = tpu.vector_load %arg9[%get3A_374, %get3A_375] {strides = array<i32>} : memref<512x64xf32, #tpu.memory_space<vmem>>, vector<16xf32>,
      %get3A_377 = arith.index_cast %add3A_373 : i32 to index
      %get3A_378 = arith.constant 0 : index
      %get3A_379 = tpu.vector_load %arg10[%get3A_377, %get3A_378] {strides = array<i32>} : memref<512x64xf32, #tpu.memory_space<vmem>>, vector<16xf32>,
      %mul3A_380 = arith.mulf %get3A_376, %get3A_379 : vector<16xf32>
      %get3A_381 = arith.index_cast %add3A_373 : i32 to index
      %get3A_382 = arith.constant 16 : index
      %get3A_383 = tpu.vector_load %arg9[%get3A_381, %get3A_382] {strides = array<i32>} : memref<512x64xf32, #tpu.memory_space<vmem>>, vector<16xf32>,
      %get3A_384 = arith.index_cast %add3A_373 : i32 to index
      %get3A_385 = arith.constant 16 : index
      %get3A_386 = tpu.vector_load %arg10[%get3A_384, %get3A_385] {strides = array<i32>} : memref<512x64xf32, #tpu.memory_space<vmem>>, vector<16xf32>,
      %mul3A_387 = arith.mulf %get3A_383, %get3A_386 : vector<16xf32>
      %add3A_388 = arith.addf %mul3A_380, %mul3A_387 : vector<16xf32>
      %get3A_389 = arith.index_cast %add3A_373 : i32 to index
      %get3A_390 = arith.constant 32 : index
      %get3A_391 = tpu.vector_load %arg9[%get3A_389, %get3A_390] {strides = array<i32>} : memref<512x64xf32, #tpu.memory_space<vmem>>, vector<16xf32>,
      %get3A_392 = arith.index_cast %add3A_373 : i32 to index
      %get3A_393 = arith.constant 32 : index
      %get3A_394 = tpu.vector_load %arg10[%get3A_392, %get3A_393] {strides = array<i32>} : memref<512x64xf32, #tpu.memory_space<vmem>>, vector<16xf32>,
      %mul3A_395 = arith.mulf %get3A_391, %get3A_394 : vector<16xf32>
      %add3A_396 = arith.addf %add3A_388, %mul3A_395 : vector<16xf32>
      %get3A_397 = arith.index_cast %add3A_373 : i32 to index
      %get3A_398 = arith.constant 48 : index
      %get3A_399 = tpu.vector_load %arg9[%get3A_397, %get3A_398] {strides = array<i32>} : memref<512x64xf32, #tpu.memory_space<vmem>>, vector<16xf32>,
      %get3A_400 = arith.index_cast %add3A_373 : i32 to index
      %get3A_401 = arith.constant 48 : index
      %get3A_402 = tpu.vector_load %arg10[%get3A_400, %get3A_401] {strides = array<i32>} : memref<512x64xf32, #tpu.memory_space<vmem>>, vector<16xf32>,
      %mul3A_403 = arith.mulf %get3A_399, %get3A_402 : vector<16xf32>
      %add3A_404 = arith.addf %add3A_396, %mul3A_403 : vector<16xf32>
      %eq3A_405 = arith.constant 8 : i32
      %eq3A_406 = vector.broadcast %eq3A_405 : i32 to vector<16xi32>
      %eq3A_407 = arith.cmpi eq, %iota3A, %eq3A_406 : vector<16xi32>
      %reduce_sum3A_408 = arith.constant true
      %reduce_sum3A_409 = vector.broadcast %reduce_sum3A_408 : i1 to vector<16xi1>
      %reduce_sum3A_410 = tpu.scan <sum>, %add3A_404 masked %reduce_sum3A_409 : vector<16xf32>, vector<16xi1> -> vector<16xf32>
      %reduce_sum3A_411 = vector.extract %reduce_sum3A_410[15] : f32 from vector<16xf32>
      %broadcast_in_dim3A_412 = vector.broadcast %reduce_sum3A_411 : f32 to vector<16xf32>
      %select_n3A_413 = arith.select %eq3A_407, %broadcast_in_dim3A_412, %select_n3A_369 : vector<16xi1>, vector<16xf32>
      %mul3A_414 = arith.constant 16 : i32
      %mul3A_415 = arith.muli %scan3A_19, %mul3A_414 : i32
      %add3A_416 = arith.constant 9 : i32
      %add3A_417 = arith.addi %mul3A_415, %add3A_416 : i32
      %get3A_418 = arith.index_cast %add3A_417 : i32 to index
      %get3A_419 = arith.constant 0 : index
      %get3A_420 = tpu.vector_load %arg9[%get3A_418, %get3A_419] {strides = array<i32>} : memref<512x64xf32, #tpu.memory_space<vmem>>, vector<16xf32>,
      %get3A_421 = arith.index_cast %add3A_417 : i32 to index
      %get3A_422 = arith.constant 0 : index
      %get3A_423 = tpu.vector_load %arg10[%get3A_421, %get3A_422] {strides = array<i32>} : memref<512x64xf32, #tpu.memory_space<vmem>>, vector<16xf32>,
      %mul3A_424 = arith.mulf %get3A_420, %get3A_423 : vector<16xf32>
      %get3A_425 = arith.index_cast %add3A_417 : i32 to index
      %get3A_426 = arith.constant 16 : index
      %get3A_427 = tpu.vector_load %arg9[%get3A_425, %get3A_426] {strides = array<i32>} : memref<512x64xf32, #tpu.memory_space<vmem>>, vector<16xf32>,
      %get3A_428 = arith.index_cast %add3A_417 : i32 to index
      %get3A_429 = arith.constant 16 : index
      %get3A_430 = tpu.vector_load %arg10[%get3A_428, %get3A_429] {strides = array<i32>} : memref<512x64xf32, #tpu.memory_space<vmem>>, vector<16xf32>,
      %mul3A_431 = arith.mulf %get3A_427, %get3A_430 : vector<16xf32>
      %add3A_432 = arith.addf %mul3A_424, %mul3A_431 : vector<16xf32>
      %get3A_433 = arith.index_cast %add3A_417 : i32 to index
      %get3A_434 = arith.constant 32 : index
      %get3A_435 = tpu.vector_load %arg9[%get3A_433, %get3A_434] {strides = array<i32>} : memref<512x64xf32, #tpu.memory_space<vmem>>, vector<16xf32>,
      %get3A_436 = arith.index_cast %add3A_417 : i32 to index
      %get3A_437 = arith.constant 32 : index
      %get3A_438 = tpu.vector_load %arg10[%get3A_436, %get3A_437] {strides = array<i32>} : memref<512x64xf32, #tpu.memory_space<vmem>>, vector<16xf32>,
      %mul3A_439 = arith.mulf %get3A_435, %get3A_438 : vector<16xf32>
      %add3A_440 = arith.addf %add3A_432, %mul3A_439 : vector<16xf32>
      %get3A_441 = arith.index_cast %add3A_417 : i32 to index
      %get3A_442 = arith.constant 48 : index
      %get3A_443 = tpu.vector_load %arg9[%get3A_441, %get3A_442] {strides = array<i32>} : memref<512x64xf32, #tpu.memory_space<vmem>>, vector<16xf32>,
      %get3A_444 = arith.index_cast %add3A_417 : i32 to index
      %get3A_445 = arith.constant 48 : index
      %get3A_446 = tpu.vector_load %arg10[%get3A_444, %get3A_445] {strides = array<i32>} : memref<512x64xf32, #tpu.memory_space<vmem>>, vector<16xf32>,
      %mul3A_447 = arith.mulf %get3A_443, %get3A_446 : vector<16xf32>
      %add3A_448 = arith.addf %add3A_440, %mul3A_447 : vector<16xf32>
      %eq3A_449 = arith.constant 9 : i32
      %eq3A_450 = vector.broadcast %eq3A_449 : i32 to vector<16xi32>
      %eq3A_451 = arith.cmpi eq, %iota3A, %eq3A_450 : vector<16xi32>
      %reduce_sum3A_452 = arith.constant true
      %reduce_sum3A_453 = vector.broadcast %reduce_sum3A_452 : i1 to vector<16xi1>
      %reduce_sum3A_454 = tpu.scan <sum>, %add3A_448 masked %reduce_sum3A_453 : vector<16xf32>, vector<16xi1> -> vector<16xf32>
      %reduce_sum3A_455 = vector.extract %reduce_sum3A_454[15] : f32 from vector<16xf32>
      %broadcast_in_dim3A_456 = vector.broadcast %reduce_sum3A_455 : f32 to vector<16xf32>
      %select_n3A_457 = arith.select %eq3A_451, %broadcast_in_dim3A_456, %select_n3A_413 : vector<16xi1>, vector<16xf32>
      %mul3A_458 = arith.constant 16 : i32
      %mul3A_459 = arith.muli %scan3A_19, %mul3A_458 : i32
      %add3A_460 = arith.constant 10 : i32
      %add3A_461 = arith.addi %mul3A_459, %add3A_460 : i32
      %get3A_462 = arith.index_cast %add3A_461 : i32 to index
      %get3A_463 = arith.constant 0 : index
      %get3A_464 = tpu.vector_load %arg9[%get3A_462, %get3A_463] {strides = array<i32>} : memref<512x64xf32, #tpu.memory_space<vmem>>, vector<16xf32>,
      %get3A_465 = arith.index_cast %add3A_461 : i32 to index
      %get3A_466 = arith.constant 0 : index
      %get3A_467 = tpu.vector_load %arg10[%get3A_465, %get3A_466] {strides = array<i32>} : memref<512x64xf32, #tpu.memory_space<vmem>>, vector<16xf32>,
      %mul3A_468 = arith.mulf %get3A_464, %get3A_467 : vector<16xf32>
      %get3A_469 = arith.index_cast %add3A_461 : i32 to index
      %get3A_470 = arith.constant 16 : index
      %get3A_471 = tpu.vector_load %arg9[%get3A_469, %get3A_470] {strides = array<i32>} : memref<512x64xf32, #tpu.memory_space<vmem>>, vector<16xf32>,
      %get3A_472 = arith.index_cast %add3A_461 : i32 to index
      %get3A_473 = arith.constant 16 : index
      %get3A_474 = tpu.vector_load %arg10[%get3A_472, %get3A_473] {strides = array<i32>} : memref<512x64xf32, #tpu.memory_space<vmem>>, vector<16xf32>,
      %mul3A_475 = arith.mulf %get3A_471, %get3A_474 : vector<16xf32>
      %add3A_476 = arith.addf %mul3A_468, %mul3A_475 : vector<16xf32>
      %get3A_477 = arith.index_cast %add3A_461 : i32 to index
      %get3A_478 = arith.constant 32 : index
      %get3A_479 = tpu.vector_load %arg9[%get3A_477, %get3A_478] {strides = array<i32>} : memref<512x64xf32, #tpu.memory_space<vmem>>, vector<16xf32>,
      %get3A_480 = arith.index_cast %add3A_461 : i32 to index
      %get3A_481 = arith.constant 32 : index
      %get3A_482 = tpu.vector_load %arg10[%get3A_480, %get3A_481] {strides = array<i32>} : memref<512x64xf32, #tpu.memory_space<vmem>>, vector<16xf32>,
      %mul3A_483 = arith.mulf %get3A_479, %get3A_482 : vector<16xf32>
      %add3A_484 = arith.addf %add3A_476, %mul3A_483 : vector<16xf32>
      %get3A_485 = arith.index_cast %add3A_461 : i32 to index
      %get3A_486 = arith.constant 48 : index
      %get3A_487 = tpu.vector_load %arg9[%get3A_485, %get3A_486] {strides = array<i32>} : memref<512x64xf32, #tpu.memory_space<vmem>>, vector<16xf32>,
      %get3A_488 = arith.index_cast %add3A_461 : i32 to index
      %get3A_489 = arith.constant 48 : index
      %get3A_490 = tpu.vector_load %arg10[%get3A_488, %get3A_489] {strides = array<i32>} : memref<512x64xf32, #tpu.memory_space<vmem>>, vector<16xf32>,
      %mul3A_491 = arith.mulf %get3A_487, %get3A_490 : vector<16xf32>
      %add3A_492 = arith.addf %add3A_484, %mul3A_491 : vector<16xf32>
      %eq3A_493 = arith.constant 10 : i32
      %eq3A_494 = vector.broadcast %eq3A_493 : i32 to vector<16xi32>
      %eq3A_495 = arith.cmpi eq, %iota3A, %eq3A_494 : vector<16xi32>
      %reduce_sum3A_496 = arith.constant true
      %reduce_sum3A_497 = vector.broadcast %reduce_sum3A_496 : i1 to vector<16xi1>
      %reduce_sum3A_498 = tpu.scan <sum>, %add3A_492 masked %reduce_sum3A_497 : vector<16xf32>, vector<16xi1> -> vector<16xf32>
      %reduce_sum3A_499 = vector.extract %reduce_sum3A_498[15] : f32 from vector<16xf32>
      %broadcast_in_dim3A_500 = vector.broadcast %reduce_sum3A_499 : f32 to vector<16xf32>
      %select_n3A_501 = arith.select %eq3A_495, %broadcast_in_dim3A_500, %select_n3A_457 : vector<16xi1>, vector<16xf32>
      %mul3A_502 = arith.constant 16 : i32
      %mul3A_503 = arith.muli %scan3A_19, %mul3A_502 : i32
      %add3A_504 = arith.constant 11 : i32
      %add3A_505 = arith.addi %mul3A_503, %add3A_504 : i32
      %get3A_506 = arith.index_cast %add3A_505 : i32 to index
      %get3A_507 = arith.constant 0 : index
      %get3A_508 = tpu.vector_load %arg9[%get3A_506, %get3A_507] {strides = array<i32>} : memref<512x64xf32, #tpu.memory_space<vmem>>, vector<16xf32>,
      %get3A_509 = arith.index_cast %add3A_505 : i32 to index
      %get3A_510 = arith.constant 0 : index
      %get3A_511 = tpu.vector_load %arg10[%get3A_509, %get3A_510] {strides = array<i32>} : memref<512x64xf32, #tpu.memory_space<vmem>>, vector<16xf32>,
      %mul3A_512 = arith.mulf %get3A_508, %get3A_511 : vector<16xf32>
      %get3A_513 = arith.index_cast %add3A_505 : i32 to index
      %get3A_514 = arith.constant 16 : index
      %get3A_515 = tpu.vector_load %arg9[%get3A_513, %get3A_514] {strides = array<i32>} : memref<512x64xf32, #tpu.memory_space<vmem>>, vector<16xf32>,
      %get3A_516 = arith.index_cast %add3A_505 : i32 to index
      %get3A_517 = arith.constant 16 : index
      %get3A_518 = tpu.vector_load %arg10[%get3A_516, %get3A_517] {strides = array<i32>} : memref<512x64xf32, #tpu.memory_space<vmem>>, vector<16xf32>,
      %mul3A_519 = arith.mulf %get3A_515, %get3A_518 : vector<16xf32>
      %add3A_520 = arith.addf %mul3A_512, %mul3A_519 : vector<16xf32>
      %get3A_521 = arith.index_cast %add3A_505 : i32 to index
      %get3A_522 = arith.constant 32 : index
      %get3A_523 = tpu.vector_load %arg9[%get3A_521, %get3A_522] {strides = array<i32>} : memref<512x64xf32, #tpu.memory_space<vmem>>, vector<16xf32>,
      %get3A_524 = arith.index_cast %add3A_505 : i32 to index
      %get3A_525 = arith.constant 32 : index
      %get3A_526 = tpu.vector_load %arg10[%get3A_524, %get3A_525] {strides = array<i32>} : memref<512x64xf32, #tpu.memory_space<vmem>>, vector<16xf32>,
      %mul3A_527 = arith.mulf %get3A_523, %get3A_526 : vector<16xf32>
      %add3A_528 = arith.addf %add3A_520, %mul3A_527 : vector<16xf32>
      %get3A_529 = arith.index_cast %add3A_505 : i32 to index
      %get3A_530 = arith.constant 48 : index
      %get3A_531 = tpu.vector_load %arg9[%get3A_529, %get3A_530] {strides = array<i32>} : memref<512x64xf32, #tpu.memory_space<vmem>>, vector<16xf32>,
      %get3A_532 = arith.index_cast %add3A_505 : i32 to index
      %get3A_533 = arith.constant 48 : index
      %get3A_534 = tpu.vector_load %arg10[%get3A_532, %get3A_533] {strides = array<i32>} : memref<512x64xf32, #tpu.memory_space<vmem>>, vector<16xf32>,
      %mul3A_535 = arith.mulf %get3A_531, %get3A_534 : vector<16xf32>
      %add3A_536 = arith.addf %add3A_528, %mul3A_535 : vector<16xf32>
      %eq3A_537 = arith.constant 11 : i32
      %eq3A_538 = vector.broadcast %eq3A_537 : i32 to vector<16xi32>
      %eq3A_539 = arith.cmpi eq, %iota3A, %eq3A_538 : vector<16xi32>
      %reduce_sum3A_540 = arith.constant true
      %reduce_sum3A_541 = vector.broadcast %reduce_sum3A_540 : i1 to vector<16xi1>
      %reduce_sum3A_542 = tpu.scan <sum>, %add3A_536 masked %reduce_sum3A_541 : vector<16xf32>, vector<16xi1> -> vector<16xf32>
      %reduce_sum3A_543 = vector.extract %reduce_sum3A_542[15] : f32 from vector<16xf32>
      %broadcast_in_dim3A_544 = vector.broadcast %reduce_sum3A_543 : f32 to vector<16xf32>
      %select_n3A_545 = arith.select %eq3A_539, %broadcast_in_dim3A_544, %select_n3A_501 : vector<16xi1>, vector<16xf32>
      %mul3A_546 = arith.constant 16 : i32
      %mul3A_547 = arith.muli %scan3A_19, %mul3A_546 : i32
      %add3A_548 = arith.constant 12 : i32
      %add3A_549 = arith.addi %mul3A_547, %add3A_548 : i32
      %get3A_550 = arith.index_cast %add3A_549 : i32 to index
      %get3A_551 = arith.constant 0 : index
      %get3A_552 = tpu.vector_load %arg9[%get3A_550, %get3A_551] {strides = array<i32>} : memref<512x64xf32, #tpu.memory_space<vmem>>, vector<16xf32>,
      %get3A_553 = arith.index_cast %add3A_549 : i32 to index
      %get3A_554 = arith.constant 0 : index
      %get3A_555 = tpu.vector_load %arg10[%get3A_553, %get3A_554] {strides = array<i32>} : memref<512x64xf32, #tpu.memory_space<vmem>>, vector<16xf32>,
      %mul3A_556 = arith.mulf %get3A_552, %get3A_555 : vector<16xf32>
      %get3A_557 = arith.index_cast %add3A_549 : i32 to index
      %get3A_558 = arith.constant 16 : index
      %get3A_559 = tpu.vector_load %arg9[%get3A_557, %get3A_558] {strides = array<i32>} : memref<512x64xf32, #tpu.memory_space<vmem>>, vector<16xf32>,
      %get3A_560 = arith.index_cast %add3A_549 : i32 to index
      %get3A_561 = arith.constant 16 : index
      %get3A_562 = tpu.vector_load %arg10[%get3A_560, %get3A_561] {strides = array<i32>} : memref<512x64xf32, #tpu.memory_space<vmem>>, vector<16xf32>,
      %mul3A_563 = arith.mulf %get3A_559, %get3A_562 : vector<16xf32>
      %add3A_564 = arith.addf %mul3A_556, %mul3A_563 : vector<16xf32>
      %get3A_565 = arith.index_cast %add3A_549 : i32 to index
      %get3A_566 = arith.constant 32 : index
      %get3A_567 = tpu.vector_load %arg9[%get3A_565, %get3A_566] {strides = array<i32>} : memref<512x64xf32, #tpu.memory_space<vmem>>, vector<16xf32>,
      %get3A_568 = arith.index_cast %add3A_549 : i32 to index
      %get3A_569 = arith.constant 32 : index
      %get3A_570 = tpu.vector_load %arg10[%get3A_568, %get3A_569] {strides = array<i32>} : memref<512x64xf32, #tpu.memory_space<vmem>>, vector<16xf32>,
      %mul3A_571 = arith.mulf %get3A_567, %get3A_570 : vector<16xf32>
      %add3A_572 = arith.addf %add3A_564, %mul3A_571 : vector<16xf32>
      %get3A_573 = arith.index_cast %add3A_549 : i32 to index
      %get3A_574 = arith.constant 48 : index
      %get3A_575 = tpu.vector_load %arg9[%get3A_573, %get3A_574] {strides = array<i32>} : memref<512x64xf32, #tpu.memory_space<vmem>>, vector<16xf32>,
      %get3A_576 = arith.index_cast %add3A_549 : i32 to index
      %get3A_577 = arith.constant 48 : index
      %get3A_578 = tpu.vector_load %arg10[%get3A_576, %get3A_577] {strides = array<i32>} : memref<512x64xf32, #tpu.memory_space<vmem>>, vector<16xf32>,
      %mul3A_579 = arith.mulf %get3A_575, %get3A_578 : vector<16xf32>
      %add3A_580 = arith.addf %add3A_572, %mul3A_579 : vector<16xf32>
      %eq3A_581 = arith.constant 12 : i32
      %eq3A_582 = vector.broadcast %eq3A_581 : i32 to vector<16xi32>
      %eq3A_583 = arith.cmpi eq, %iota3A, %eq3A_582 : vector<16xi32>
      %reduce_sum3A_584 = arith.constant true
      %reduce_sum3A_585 = vector.broadcast %reduce_sum3A_584 : i1 to vector<16xi1>
      %reduce_sum3A_586 = tpu.scan <sum>, %add3A_580 masked %reduce_sum3A_585 : vector<16xf32>, vector<16xi1> -> vector<16xf32>
      %reduce_sum3A_587 = vector.extract %reduce_sum3A_586[15] : f32 from vector<16xf32>
      %broadcast_in_dim3A_588 = vector.broadcast %reduce_sum3A_587 : f32 to vector<16xf32>
      %select_n3A_589 = arith.select %eq3A_583, %broadcast_in_dim3A_588, %select_n3A_545 : vector<16xi1>, vector<16xf32>
      %mul3A_590 = arith.constant 16 : i32
      %mul3A_591 = arith.muli %scan3A_19, %mul3A_590 : i32
      %add3A_592 = arith.constant 13 : i32
      %add3A_593 = arith.addi %mul3A_591, %add3A_592 : i32
      %get3A_594 = arith.index_cast %add3A_593 : i32 to index
      %get3A_595 = arith.constant 0 : index
      %get3A_596 = tpu.vector_load %arg9[%get3A_594, %get3A_595] {strides = array<i32>} : memref<512x64xf32, #tpu.memory_space<vmem>>, vector<16xf32>,
      %get3A_597 = arith.index_cast %add3A_593 : i32 to index
      %get3A_598 = arith.constant 0 : index
      %get3A_599 = tpu.vector_load %arg10[%get3A_597, %get3A_598] {strides = array<i32>} : memref<512x64xf32, #tpu.memory_space<vmem>>, vector<16xf32>,
      %mul3A_600 = arith.mulf %get3A_596, %get3A_599 : vector<16xf32>
      %get3A_601 = arith.index_cast %add3A_593 : i32 to index
      %get3A_602 = arith.constant 16 : index
      %get3A_603 = tpu.vector_load %arg9[%get3A_601, %get3A_602] {strides = array<i32>} : memref<512x64xf32, #tpu.memory_space<vmem>>, vector<16xf32>,
      %get3A_604 = arith.index_cast %add3A_593 : i32 to index
      %get3A_605 = arith.constant 16 : index
      %get3A_606 = tpu.vector_load %arg10[%get3A_604, %get3A_605] {strides = array<i32>} : memref<512x64xf32, #tpu.memory_space<vmem>>, vector<16xf32>,
      %mul3A_607 = arith.mulf %get3A_603, %get3A_606 : vector<16xf32>
      %add3A_608 = arith.addf %mul3A_600, %mul3A_607 : vector<16xf32>
      %get3A_609 = arith.index_cast %add3A_593 : i32 to index
      %get3A_610 = arith.constant 32 : index
      %get3A_611 = tpu.vector_load %arg9[%get3A_609, %get3A_610] {strides = array<i32>} : memref<512x64xf32, #tpu.memory_space<vmem>>, vector<16xf32>,
      %get3A_612 = arith.index_cast %add3A_593 : i32 to index
      %get3A_613 = arith.constant 32 : index
      %get3A_614 = tpu.vector_load %arg10[%get3A_612, %get3A_613] {strides = array<i32>} : memref<512x64xf32, #tpu.memory_space<vmem>>, vector<16xf32>,
      %mul3A_615 = arith.mulf %get3A_611, %get3A_614 : vector<16xf32>
      %add3A_616 = arith.addf %add3A_608, %mul3A_615 : vector<16xf32>
      %get3A_617 = arith.index_cast %add3A_593 : i32 to index
      %get3A_618 = arith.constant 48 : index
      %get3A_619 = tpu.vector_load %arg9[%get3A_617, %get3A_618] {strides = array<i32>} : memref<512x64xf32, #tpu.memory_space<vmem>>, vector<16xf32>,
      %get3A_620 = arith.index_cast %add3A_593 : i32 to index
      %get3A_621 = arith.constant 48 : index
      %get3A_622 = tpu.vector_load %arg10[%get3A_620, %get3A_621] {strides = array<i32>} : memref<512x64xf32, #tpu.memory_space<vmem>>, vector<16xf32>,
      %mul3A_623 = arith.mulf %get3A_619, %get3A_622 : vector<16xf32>
      %add3A_624 = arith.addf %add3A_616, %mul3A_623 : vector<16xf32>
      %eq3A_625 = arith.constant 13 : i32
      %eq3A_626 = vector.broadcast %eq3A_625 : i32 to vector<16xi32>
      %eq3A_627 = arith.cmpi eq, %iota3A, %eq3A_626 : vector<16xi32>
      %reduce_sum3A_628 = arith.constant true
      %reduce_sum3A_629 = vector.broadcast %reduce_sum3A_628 : i1 to vector<16xi1>
      %reduce_sum3A_630 = tpu.scan <sum>, %add3A_624 masked %reduce_sum3A_629 : vector<16xf32>, vector<16xi1> -> vector<16xf32>
      %reduce_sum3A_631 = vector.extract %reduce_sum3A_630[15] : f32 from vector<16xf32>
      %broadcast_in_dim3A_632 = vector.broadcast %reduce_sum3A_631 : f32 to vector<16xf32>
      %select_n3A_633 = arith.select %eq3A_627, %broadcast_in_dim3A_632, %select_n3A_589 : vector<16xi1>, vector<16xf32>
      %mul3A_634 = arith.constant 16 : i32
      %mul3A_635 = arith.muli %scan3A_19, %mul3A_634 : i32
      %add3A_636 = arith.constant 14 : i32
      %add3A_637 = arith.addi %mul3A_635, %add3A_636 : i32
      %get3A_638 = arith.index_cast %add3A_637 : i32 to index
      %get3A_639 = arith.constant 0 : index
      %get3A_640 = tpu.vector_load %arg9[%get3A_638, %get3A_639] {strides = array<i32>} : memref<512x64xf32, #tpu.memory_space<vmem>>, vector<16xf32>,
      %get3A_641 = arith.index_cast %add3A_637 : i32 to index
      %get3A_642 = arith.constant 0 : index
      %get3A_643 = tpu.vector_load %arg10[%get3A_641, %get3A_642] {strides = array<i32>} : memref<512x64xf32, #tpu.memory_space<vmem>>, vector<16xf32>,
      %mul3A_644 = arith.mulf %get3A_640, %get3A_643 : vector<16xf32>
      %get3A_645 = arith.index_cast %add3A_637 : i32 to index
      %get3A_646 = arith.constant 16 : index
      %get3A_647 = tpu.vector_load %arg9[%get3A_645, %get3A_646] {strides = array<i32>} : memref<512x64xf32, #tpu.memory_space<vmem>>, vector<16xf32>,
      %get3A_648 = arith.index_cast %add3A_637 : i32 to index
      %get3A_649 = arith.constant 16 : index
      %get3A_650 = tpu.vector_load %arg10[%get3A_648, %get3A_649] {strides = array<i32>} : memref<512x64xf32, #tpu.memory_space<vmem>>, vector<16xf32>,
      %mul3A_651 = arith.mulf %get3A_647, %get3A_650 : vector<16xf32>
      %add3A_652 = arith.addf %mul3A_644, %mul3A_651 : vector<16xf32>
      %get3A_653 = arith.index_cast %add3A_637 : i32 to index
      %get3A_654 = arith.constant 32 : index
      %get3A_655 = tpu.vector_load %arg9[%get3A_653, %get3A_654] {strides = array<i32>} : memref<512x64xf32, #tpu.memory_space<vmem>>, vector<16xf32>,
      %get3A_656 = arith.index_cast %add3A_637 : i32 to index
      %get3A_657 = arith.constant 32 : index
      %get3A_658 = tpu.vector_load %arg10[%get3A_656, %get3A_657] {strides = array<i32>} : memref<512x64xf32, #tpu.memory_space<vmem>>, vector<16xf32>,
      %mul3A_659 = arith.mulf %get3A_655, %get3A_658 : vector<16xf32>
      %add3A_660 = arith.addf %add3A_652, %mul3A_659 : vector<16xf32>
      %get3A_661 = arith.index_cast %add3A_637 : i32 to index
      %get3A_662 = arith.constant 48 : index
      %get3A_663 = tpu.vector_load %arg9[%get3A_661, %get3A_662] {strides = array<i32>} : memref<512x64xf32, #tpu.memory_space<vmem>>, vector<16xf32>,
      %get3A_664 = arith.index_cast %add3A_637 : i32 to index
      %get3A_665 = arith.constant 48 : index
      %get3A_666 = tpu.vector_load %arg10[%get3A_664, %get3A_665] {strides = array<i32>} : memref<512x64xf32, #tpu.memory_space<vmem>>, vector<16xf32>,
      %mul3A_667 = arith.mulf %get3A_663, %get3A_666 : vector<16xf32>
      %add3A_668 = arith.addf %add3A_660, %mul3A_667 : vector<16xf32>
      %eq3A_669 = arith.constant 14 : i32
      %eq3A_670 = vector.broadcast %eq3A_669 : i32 to vector<16xi32>
      %eq3A_671 = arith.cmpi eq, %iota3A, %eq3A_670 : vector<16xi32>
      %reduce_sum3A_672 = arith.constant true
      %reduce_sum3A_673 = vector.broadcast %reduce_sum3A_672 : i1 to vector<16xi1>
      %reduce_sum3A_674 = tpu.scan <sum>, %add3A_668 masked %reduce_sum3A_673 : vector<16xf32>, vector<16xi1> -> vector<16xf32>
      %reduce_sum3A_675 = vector.extract %reduce_sum3A_674[15] : f32 from vector<16xf32>
      %broadcast_in_dim3A_676 = vector.broadcast %reduce_sum3A_675 : f32 to vector<16xf32>
      %select_n3A_677 = arith.select %eq3A_671, %broadcast_in_dim3A_676, %select_n3A_633 : vector<16xi1>, vector<16xf32>
      %mul3A_678 = arith.constant 16 : i32
      %mul3A_679 = arith.muli %scan3A_19, %mul3A_678 : i32
      %add3A_680 = arith.constant 15 : i32
      %add3A_681 = arith.addi %mul3A_679, %add3A_680 : i32
      %get3A_682 = arith.index_cast %add3A_681 : i32 to index
      %get3A_683 = arith.constant 0 : index
      %get3A_684 = tpu.vector_load %arg9[%get3A_682, %get3A_683] {strides = array<i32>} : memref<512x64xf32, #tpu.memory_space<vmem>>, vector<16xf32>,
      %get3A_685 = arith.index_cast %add3A_681 : i32 to index
      %get3A_686 = arith.constant 0 : index
      %get3A_687 = tpu.vector_load %arg10[%get3A_685, %get3A_686] {strides = array<i32>} : memref<512x64xf32, #tpu.memory_space<vmem>>, vector<16xf32>,
      %mul3A_688 = arith.mulf %get3A_684, %get3A_687 : vector<16xf32>
      %get3A_689 = arith.index_cast %add3A_681 : i32 to index
      %get3A_690 = arith.constant 16 : index
      %get3A_691 = tpu.vector_load %arg9[%get3A_689, %get3A_690] {strides = array<i32>} : memref<512x64xf32, #tpu.memory_space<vmem>>, vector<16xf32>,
      %get3A_692 = arith.index_cast %add3A_681 : i32 to index
      %get3A_693 = arith.constant 16 : index
      %get3A_694 = tpu.vector_load %arg10[%get3A_692, %get3A_693] {strides = array<i32>} : memref<512x64xf32, #tpu.memory_space<vmem>>, vector<16xf32>,
      %mul3A_695 = arith.mulf %get3A_691, %get3A_694 : vector<16xf32>
      %add3A_696 = arith.addf %mul3A_688, %mul3A_695 : vector<16xf32>
      %get3A_697 = arith.index_cast %add3A_681 : i32 to index
      %get3A_698 = arith.constant 32 : index
      %get3A_699 = tpu.vector_load %arg9[%get3A_697, %get3A_698] {strides = array<i32>} : memref<512x64xf32, #tpu.memory_space<vmem>>, vector<16xf32>,
      %get3A_700 = arith.index_cast %add3A_681 : i32 to index
      %get3A_701 = arith.constant 32 : index
      %get3A_702 = tpu.vector_load %arg10[%get3A_700, %get3A_701] {strides = array<i32>} : memref<512x64xf32, #tpu.memory_space<vmem>>, vector<16xf32>,
      %mul3A_703 = arith.mulf %get3A_699, %get3A_702 : vector<16xf32>
      %add3A_704 = arith.addf %add3A_696, %mul3A_703 : vector<16xf32>
      %get3A_705 = arith.index_cast %add3A_681 : i32 to index
      %get3A_706 = arith.constant 48 : index
      %get3A_707 = tpu.vector_load %arg9[%get3A_705, %get3A_706] {strides = array<i32>} : memref<512x64xf32, #tpu.memory_space<vmem>>, vector<16xf32>,
      %get3A_708 = arith.index_cast %add3A_681 : i32 to index
      %get3A_709 = arith.constant 48 : index
      %get3A_710 = tpu.vector_load %arg10[%get3A_708, %get3A_709] {strides = array<i32>} : memref<512x64xf32, #tpu.memory_space<vmem>>, vector<16xf32>,
      %mul3A_711 = arith.mulf %get3A_707, %get3A_710 : vector<16xf32>
      %add3A_712 = arith.addf %add3A_704, %mul3A_711 : vector<16xf32>
      %eq3A_713 = arith.constant 15 : i32
      %eq3A_714 = vector.broadcast %eq3A_713 : i32 to vector<16xi32>
      %eq3A_715 = arith.cmpi eq, %iota3A, %eq3A_714 : vector<16xi32>
      %reduce_sum3A_716 = arith.constant true
      %reduce_sum3A_717 = vector.broadcast %reduce_sum3A_716 : i1 to vector<16xi1>
      %reduce_sum3A_718 = tpu.scan <sum>, %add3A_712 masked %reduce_sum3A_717 : vector<16xf32>, vector<16xi1> -> vector<16xf32>
      %reduce_sum3A_719 = vector.extract %reduce_sum3A_718[15] : f32 from vector<16xf32>
      %broadcast_in_dim3A_720 = vector.broadcast %reduce_sum3A_719 : f32 to vector<16xf32>
      %select_n3A_721 = arith.select %eq3A_715, %broadcast_in_dim3A_720, %select_n3A_677 : vector<16xi1>, vector<16xf32>
      %mul3A_722 = arith.constant 16 : i32
      %mul3A_723 = arith.muli %scan3A_19, %mul3A_722 : i32
      %swap3A = arith.index_cast %mul3A_723 : i32 to index
      %swap3A_724 = tpu.vector_load %arg11[%swap3A] {strides = array<i32>} : memref<512xf32, #tpu.memory_space<vmem>>, vector<16xf32>,
      tpu.vector_store %arg11[%swap3A], %select_n3A_721 {strides = array<i32>} : memref<512xf32, #tpu.memory_space<vmem>>, vector<16xf32>,
      %scan3A_725 = arith.constant 0 : i32
      scf.yield %scan3A_725 : i32
    }
    %scan3A_18 = arith.constant 32 : i32
    "tpu.region"() ({
      %run_scoped3A = tpu.sem_alloc : memref<!tpu.dma_semaphore, #tpu.memory_space<semaphore_mem>>
      %dma_start3A_19 = tpu.memref_slice %arg6[%mul3A_2] : memref<16384xf32, #tpu.memory_space<hbm>> -> memref<512xf32, #tpu.memory_space<hbm>>
      %dma_start3A_20 = tpu.memref_slice %arg6[%mul3A_2] : memref<16384xf32, #tpu.memory_space<hbm>> -> memref<512xf32, #tpu.memory_space<hbm>>
      tpu.enqueue_dma source(%arg11 : memref<512xf32, #tpu.memory_space<vmem>>) target(%dma_start3A_20 : memref<512xf32, #tpu.memory_space<hbm>>) target_semaphore(%run_scoped3A : memref<!tpu.dma_semaphore, #tpu.memory_space<semaphore_mem>>)
      %dma_wait3A_21 = tpu.memref_slice %arg6[%mul3A_2] : memref<16384xf32, #tpu.memory_space<hbm>> -> memref<512xf32, #tpu.memory_space<hbm>>
      %dma_wait3A_22 = tpu.memref_slice %arg6[%mul3A_2] : memref<16384xf32, #tpu.memory_space<hbm>> -> memref<512xf32, #tpu.memory_space<hbm>>
      tpu.wait_dma2 semaphore(%run_scoped3A : memref<!tpu.dma_semaphore, #tpu.memory_space<semaphore_mem>>) src(%arg11 : memref<512xf32, #tpu.memory_space<vmem>>) dst(%dma_wait3A_22 : memref<512xf32, #tpu.memory_space<hbm>>)
      tpu.yield
    }) : () -> ()
    return
  }
}

</mosaic_0001>

<sc_bundles>
// kernel: kernel.3.cloned.1.call-start
scs
__scs_entry_jumppad:
0x0: {  	(pc) =	sbr.rel $0x88, $3  }
0x1: {  	(tag) =	ssettag $0x0;
	lr =	simm.s32 $0x1  }
0x2: {  	[smem:$0x3F9D] =	sst lr;
	_ =	strace $0xD0000000  }
0x3: {  	_ = 	snop  }
0x4: {  	_ = 	snop  }
0x5: {  	_ = 	snop  }
0x6: {  	_ = 	snop  }
0x7: {  	_ = 	snop  }
__scs_overlays_trampoline_lowered:
0x8: {  	[smem:$0x3FAC] =	sst s0  }
0x9: {  	[smem:$0x3FAD] =	sst s1  }
0xa: {  	[smem:$0x3FAE] =	sst s2  }
0xb: {  	[smem:$0x3FAF] =	sst s3  }
0xc: {  	[smem:$0x3FB0] =	sst s4  }
0xd: {  	[smem:$0x3FB1] =	sst s5  }
0xe: {  	[smem:$0x3FB2] =	sst s6  }
0xf: {  	[smem:$0x3FB3] =	sst s7  }
0x10: {  	[smem:$0x3FB4] =	sst s8  }
0x11: {  	[smem:$0x3FB5] =	sst s9;
	s0 =	simm.s32 @!p0 $0x0  }
0x12: {  	s1 =	sld [smem:$0x3F9B];
	s0 =	simm.s32 @p0 $0x1  }
0x13: {  	[smem:$0x3FB6] =	sst s0;
	s0 =	simm.s32 @!p1 $0x0  }
0x14: {  	s2 =	sld [smem:$0x3F9A];
	s0 =	simm.s32 @p1 $0x1  }
0x15: {  	[smem:$0x3FB7] =	sst s0;
	s0 =	simm.s32 @!p2 $0x0  }
0x16: {  	s3 =	sld [smem:$0x3FDB];
	s0 =	simm.s32 @p2 $0x1  }
0x17: {  	s4 =	simm.s32 $0x1BF5;
	[smem:$0x3FB9] =	sst s0  }
0x18: {  	s0 =	sld [smem:$0x3F9C];
	_ =	swait.ge [sflag:s4], $0x0  }
0x19: {  	s7 =	sld [smem:$0x3F9D]  }
0x1a: {  	s8 =	sadd.s32 $0xFFFFE003, lr  }
0x1b: {  	s9 =	sadd.s32 $0xFFFFFEF7, lr;
	s5 =	simm.s32 $0xFFFFFFFF;
	p2 =	slt.u32 s8, $0xFFFFF086  }
0x1c: {  	p1 =	slt.u32 s9, $0xF7A;
	s5 =	simm.s32 @!p2 $0x0  }
0x1d: {  	s5 =	simm.s32 @p1 $0x1;
	p0 =	seq.s32 s7, s2  }
0x1e: {  	s7 =	smul.u32 @!p0 $0xF7A, s2;
	p2 =	seq.s32 @!p0 s5, $0x0  }
0x1f: {  	s9 =	smul.u32 $0xF7A, s1;
	s8 =	simm.s32 @!p0 $0x1BF5;
	p2 =	por !p2, p0  }
0x20: {  	[sflag:s8] =	ssyncset.s32 @!p0 $0xFFFFF086;
	s6 =	sadd.s32 @!p0 s3, s7;
	s7 =	simm.s32 @!p0 $0x108  }
0x21: {  	s3 =	sadd.s32 s3, s9;
	s6 =	sadd.s32 @!p0 $0x88, s6;
	s7 =	simm.s32 @p2 $0x1082  }
0x22: {  	[simem:s7], [sflag:s8] =	dma.local @!p0 [hbm:s6], $0xF7A  }
0x23: {  	s9 =	sor.u32 $0xD0000000, s2;
	s6 =	simm.s32 $0x108;
	_ =	swait.ge @!p0 [sflag:s8], $0x0  }
0x24: {  	s3 =	sadd.s32 $0x88, s3;
	s6 =	simm.s32 @!p1 $0x1082;
	[sflag:s4] =	ssyncset.s32 $0xFFFFF086  }
0x25: {  	[simem:s6], [sflag:s4] =	dma.local [hbm:s3], $0xF7A  }
0x26: {  	[smem:$0x3F9D] =	sst s1;
	(tag) =	ssettag s2;
	_ =	strace s9  }
0x27: {  	s1 =	sld [smem:$0x3FAD]  }
0x28: {  	s2 =	sld [smem:$0x3FAE]  }
0x29: {  	s4 =	sld [smem:$0x3FB0]  }
0x2a: {  	p0 =	seq.s32 s5, $0x0;
	s5 =	sld [smem:$0x3FB1]  }
0x2b: {  	s6 =	sld [smem:$0x3FB2]  }
0x2c: {  	s7 =	sld [smem:$0x3FB3]  }
0x2d: {  	s3 =	simm.s32 $0x108;
	s8 =	sld [smem:$0x3FB4]  }
0x2e: {  	s3 =	simm.s32 @!p0 $0x1082;
	s9 =	sld [smem:$0x3FB5]  }
0x2f: {  	lr =	sadd.s32 s0, s3;
	s0 =	sld [smem:$0x3FAC]  }
0x30: {  	s3 =	sld [smem:$0x3FAF]  }
0x31: {  	[smem:$0x3FB8] =	sst s10  }
0x32: {  	s10 =	sld [smem:$0x3FB6];
	_ =	sdelay $0x3  }
0x33: {  	p0 =	seq.s32 s10, $0x1;
	s10 =	sld [smem:$0x3FB8];
	_ =	sdelay $0x3  }
0x34: {  	[smem:$0x3FB8] =	sst s10  }
0x35: {  	s10 =	sld [smem:$0x3FB7];
	_ =	sdelay $0x3  }
0x36: {  	p1 =	seq.s32 s10, $0x1;
	s10 =	sld [smem:$0x3FB8];
	_ =	sdelay $0x3  }
0x37: {  	[smem:$0x3FB8] =	sst s10  }
0x38: {  	s10 =	sld [smem:$0x3FB9]  }
0x39: {  	_ = 	snop;
	(pc) =	sbr.ind lr, $3  }
0x3a: {  	_ = 	snop  }
0x3b: {  	_ = 	snop  }
0x3c: {  	p2 =	seq.s32 s10, $0x1;
	s10 =	sld [smem:$0x3FB8]  }
0x3d: {  	_ =	shalt  }
0x3e: {  	_ =	shalt  }
0x3f: {  	_ =	shalt  }
0x40: {  	_ =	shalt  }
0x41: {  	_ =	shalt  }
0x42: {  	_ =	shalt  }
0x43: {  	_ =	shalt  }
0x44: {  	_ =	shalt  }
0x45: {  	_ =	shalt  }
0x46: {  	_ =	shalt  }
0x47: {  	_ =	shalt  }
0x48: {  	_ =	shalt  }
0x49: {  	_ =	shalt  }
0x4a: {  	_ =	shalt  }
0x4b: {  	_ =	shalt  }
0x4c: {  	_ =	shalt  }
0x4d: {  	_ =	shalt  }
0x4e: {  	_ =	shalt  }
0x4f: {  	_ =	shalt  }
0x50: {  	_ =	shalt  }
0x51: {  	_ =	shalt  }
0x52: {  	_ =	shalt  }
0x53: {  	_ =	shalt  }
0x54: {  	_ =	shalt  }
0x55: {  	_ =	shalt  }
0x56: {  	_ =	shalt  }
0x57: {  	_ =	shalt  }
0x58: {  	_ =	shalt  }
0x59: {  	_ =	shalt  }
0x5a: {  	_ =	shalt  }
0x5b: {  	_ =	shalt  }
0x5c: {  	_ =	shalt  }
0x5d: {  	_ =	shalt  }
0x5e: {  	_ =	shalt  }
0x5f: {  	_ =	shalt  }
0x60: {  	_ =	shalt  }
0x61: {  	_ =	shalt  }
0x62: {  	_ =	shalt  }
0x63: {  	_ =	shalt  }
0x64: {  	_ =	shalt  }
0x65: {  	_ =	shalt  }
0x66: {  	_ =	shalt  }
0x67: {  	_ =	shalt  }
0x68: {  	_ =	shalt  }
0x69: {  	_ =	shalt  }
0x6a: {  	_ =	shalt  }
0x6b: {  	_ =	shalt  }
0x6c: {  	_ =	shalt  }
0x6d: {  	_ =	shalt  }
0x6e: {  	_ =	shalt  }
0x6f: {  	_ =	shalt  }
0x70: {  	_ =	shalt  }
0x71: {  	_ =	shalt  }
0x72: {  	_ =	shalt  }
0x73: {  	_ =	shalt  }
0x74: {  	_ =	shalt  }
0x75: {  	_ =	shalt  }
0x76: {  	_ =	shalt  }
0x77: {  	_ =	shalt  }
0x78: {  	_ =	shalt  }
0x79: {  	_ =	shalt  }
0x7a: {  	_ =	shalt  }
0x7b: {  	_ =	shalt  }
0x7c: {  	_ =	shalt  }
0x7d: {  	_ =	shalt  }
0x7e: {  	_ =	shalt  }
0x7f: {  	_ =	shalt  }
0x80: {  	_ =	shalt  }
0x81: {  	_ =	shalt  }
0x82: {  	_ =	shalt  }
0x83: {  	_ =	shalt  }
0x84: {  	_ =	shalt  }
0x85: {  	_ =	shalt  }
0x86: {  	_ =	shalt  }
0x87: {  	_ =	shalt  }
.Lfunc_end0:
.L_simem_size_0:
called_computation_lowered:
.L_overlay_start_0:
0x88: {  	s2 =	sld [smem:$0x3FD9]  }
0x89: {  	s3 =	sld [smem:$0x3FFE];
	_ =	sdelay $0x1  }
0x8a: {  	s1 =	srdreg.scid  }
0x8b: {  	s0 =	sand.u32 $0x1, s1  }
0x8c: {  	s17 =	sshll.u32 s0, $0xA;
	s2 =	sadd.s32 s3, s2  }
0x8d: {  	s2 =	sadd.s32 s2, s17  }
0x8e: {  	[smem:$0x3FC4] =	sst s2  }
0x8f: {  	_ = 	snop  }
0x90: {  	s2 =	sld [smem:$0x3FC7]  }
0x91: {  	s18 =	sld [smem:$0x3FC6]  }
0x92: {  	s4 =	sld [smem:$0x3FD0];
	(tm) =	ssettm $0x1  }
0x93: {  	s5 =	sld [smem:$0x3FFB];
	_ =	sdelay $0x3  }
0x94: {  	_ =	strace s5  }
0x95: {  	s5 =	sld [smem:$0x3FFC];
	_ =	sdelay $0x3  }
0x96: {  	_ =	strace s5  }
0x97: {  	s5 =	sld [smem:$0x3FFD];
	_ =	sdelay $0x3  }
0x98: {  	_ =	strace s5  }
0x99: {  	_ =	strace $0x8FFFFFFF  }
0x9a: {  	s19 =	sld [smem:$0x3FDB];
	_ =	sdelay $0x1  }
0x9b: {  	s6 =	simm.s32 $_scs_section_size  }
0x9c: {  	s7 =	simm.s32 $_size__tile_overlayer_lowered;
	s8 =	simm.s32 $_tile_overlayer_lowered  }
0x9d: {  	s22 =	simm.s32 $0x1BFF;
	s21 =	sshll.u32 s8, $0x1;
	s5 =	sadd.s32 s6, s19  }
0x9e: {  	s9 =	simm.s32 $0x0;
	s20 =	sshll.u32 s7, $0x1;
	s7 =	sadd.s32 s21, s5  }
0x9f: {  	[timem:s9], [sflag:s22] =	dma.local [hbm:s7], s20  }
0xa0: {  	_ =	swait.ge [sflag:s22], s20  }
0xa1: {  	s6 =	ssub.s32 $0x0, s20;
	[sflag:s22] =	ssyncset.done $0x0  }
0xa2: {  	[sflag:s22] =	ssyncadd.s32 s6;
	_ =	sdelay $0x1  }
0xa3: {  	s23 =	simm.s32 $0x1B8B  }
0xa4: {  	_ =	swait.ge [sflag:s23], $0x1  }
0xa5: {  	[sflag:s23] =	ssyncset.done $0x0  }
0xa6: {  	s25 =	simm.s32 $0x1B8E;
	s24 =	sld [smem:$0x3FFE];
	[sflag:s23] =	ssyncadd.s32 $0xFFFFFFFF  }
0xa7: {  	s26 =	simm.s32 $execute0_lowered;
	[smem:$0x3FD2] =	sst s25  }
0xa8: {  	s7 =	sshll.u32 s26, $0x1;
	_ =	strace $0x80000046;
	[dreg:$0x1] =	wrdreg $0xFFFFFFFF  }
0xa9: {  	s28 =	simm.s32 $_size_execute0_lowered;
	s5 =	sadd.s32 s5, s7;
	[dreg:$0x0] =	wrdreg $0x0  }
0xaa: {  	s7 =	sshll.u32 s28, $0x1;
	[dreg:$0x2] =	wrdreg s5  }
0xab: {  	[dreg:$0x3] =	wrdreg s7  }
0xac: {  	[dreg:$0x4] =	wrdreg $0xC0  }
0xad: {  	_ =	task [dreg:s9], $0x5FFFF  }
0xae: {  	[dreg:$0x1] =	wrdreg $0xFFFFFFFF  }
0xaf: {  	[dreg:$0x0] =	wrdreg $0x60  }
0xb0: {  	[dreg:$0x2] =	wrdreg s24  }
0xb1: {  	[dreg:$0x3] =	wrdreg s2  }
0xb2: {  	[dreg:$0x4] =	wrdreg s18  }
0xb3: {  	[dreg:$0x5] =	wrdreg s4  }
0xb4: {  	[dreg:$0x6] =	wrdreg $0x9  }
0xb5: {  	_ =	task.clear_ibuf [dreg:s9], $0x7FFFF;
	_ =	strace $0x90000046  }
0xb6: {  	s29 =	simm.s32 $0x9;
	_ =	strace $0x80000048  }
0xb7: {  	_ =	swait.ge [sflag:s29], $0x1  }
0xb8: {  	[sflag:s29] =	ssyncadd.s32 $0xFFFFFFFF  }
0xb9: {  	_ =	strace $0x90000048  }
0xba: {  	_ =	sfence  }
0xbb: {  	s30 =	sld [smem:$0x0];
	_ =	sdelay $0x2  }
0xbc: {  	s31 =	sshll.u32 s1, $0xD;
	s1 =	sshrl.u32 s1, $0x2  }
0xbd: {  	s3 =	sand.u32 $0x4000, s31;
	s1 =	sadd.s32 s1, s30  }
0xbe: {  	s0 =	sor.u32 s3, s0;
	s1 =	sshll.u32 s1, $0x11  }
0xbf: {  	s0 =	sor.u32 s1, s0  }
0xc0: {  	s0 =	sadd.s32 $0x8F2B, s0  }
0xc1: {  	[sflag:s0] =	ssyncadd.remote.s32 $0x1  }
0xc2: {  	_ =	sfence.sel $0xFFFF  }
0xc3: {  	[dreg:$0x0] =	wrdreg $0xFFFFFFFF;
	(pc) =	sbr.abs _section_cstart, $3  }
0xc4: {  	[dreg:$0x1] =	wrdreg $0xFFFFFFFF  }
0xc5: {  	_ =	task.clear_ibuf [dreg:s9], $0x2FFFF;
	_ =	strace $0x9FFFFFFF  }
0xc6: {  	(tm) =	ssettm $0x7FFFFFFF  }
0xc7: {  	_ =	shalt  }
tec
execute0_lowered:
.L_overlay_start_1:
0x0: {  	(tag) =	ssettag $0x1  }
0x1: {  	s4 =	rddreg [dreg:$0x0]  }
0x2: {  	s5 =	rddreg [dreg:$0x1]  }
0x3: {  	s6 =	rddreg [dreg:$0x2]  }
0x4: {  	s7 =	rddreg [dreg:$0x3]  }
0x5: {  	s0 =	rddreg [dreg:$0x4];
	s1 =	simm.s32 $0x0;
	s2 =	srdreg.scid  }
0x6: {  	s12 =	simm.s32 $0x8400;
	s13 =	simm.s32 $0x1;
	s14 =	simm.s32 $0x2  }
0x7: {  	s15 =	simm.s32 $0x10400;
	s16 =	simm.s32 $0x0;
	[smem:$0x7FF] =	sst s1  }
0x8: {  	s8 =	sand.u32 $0x1, s2;
	s3 =	sadd.s32 $0xF42800, s4;
	s2 =	stileid.u32  }
0x9: {  	vm0 =	vmmov $0x1;
	vm1 =	vmmov $0x3;
	vm2 =	vmmov $0x7;
	s4 =	sadd.s32 $0x16E3A00, s4;
	_ =	strace $0x80000047;
	s9 =	ssub.s32 $0x2, s8  }
0xa: {  	vm3 =	vmmov $0xf;
	vm4 =	vmmov $0x1f;
	vm5 =	vmmov $0x3f;
	s11 =	sshll.u32 s2, $0x7;
	s8 =	sshll.u32 s8, $0x6;
	s10 =	sshrl.u32 s9, $0x1  }
0xb: {  	vm6 =	vmmov $0x7f;
	vm7 =	vmmov $0xff;
	vm8 =	vmmov $0x1ff;
	s8 =	sor.u32 s8, s11;
	s11 =	simm.s32 $0x400;
	s9 =	ssub.s32 s9, s10  }
0xc: {  	vm9 =	vmmov $0x3ff;
	vm10 =	vmmov $0x7ff;
	vm11 =	vmmov $0xfff;
	s5 =	sadd.s32 s5, s8;
	s6 =	sadd.s32 s6, s8;
	s7 =	sadd.s32 s7, s8  }
0xd: {  	vm12 =	vmmov $0x1fff;
	vm13 =	vmmov $0x3fff;
	vm14 =	vmmov $0x7fff;
	s10 =	simm.s32 $0x200;
	s8 =	smax.u32 s9, $0x1;
	s9 =	simm.s32 $0x3  }
.LBB2_1:
0xe: {  	[tilespmem:s1], [sflag:$0x3] =	stream.linear.gather [hbm4b:s5+s1], $0x200, $0x38;
	[tilespmem:$0x10600] =	vst v63  }
0xf: {  	_ =	swait.ge [sflag:s9], $0x200  }
0x10: {  	[sflag:s9] =	ssyncset.done $0x0  }
0x11: {  	[sflag:s9] =	ssyncadd.s32 $0xFFFFFE00  }
0x12: {  	[tilespmem:s10], [sflag:$0x3] =	stream.linear.gather [hbm4b:s6+s1], $0x200, $0x38;
	[tilespmem:$0x10600] =	vst v63  }
0x13: {  	_ =	swait.ge [sflag:s9], $0x200  }
0x14: {  	[sflag:s9] =	ssyncset.done $0x0  }
0x15: {  	[sflag:s9] =	ssyncadd.s32 $0xFFFFFE00  }
0x16: {  	[tilespmem:s11], [sflag:$0x1] =	stream.indirect.gather [hbm4b:s3+s10], $0x40, s1, s10, $0xb8;
	[tilespmem:$0x10600] =	vst v63  }
0x17: {  	_ = 	snop  }
0x18: {  	[tilespmem:s12], [sflag:$0x2] =	stream.indirect.gather [hbm4b:s4+s10], $0x40, s10, s10, $0xb8;
	[tilespmem:$0x10600] =	vst v63  }
0x19: {  	_ =	swait.ge [sflag:s13], $0x8000  }
0x1a: {  	[sflag:s13] =	ssyncset.done $0x0  }
0x1b: {  	[sflag:s13] =	ssyncadd.s32 $0xFFFF8000  }
0x1c: {  	_ =	swait.ge [sflag:s14], $0x8000  }
0x1d: {  	[sflag:s14] =	ssyncset.done $0x0  }
0x1e: {  	s17 =	simm.s32 $0x0;
	[sflag:s14] =	ssyncadd.s32 $0xFFFF8000  }
0x1f: {  	v20 =	vld [tilespmem:s17+$0x7B0]  }
0x20: {  	v21 =	vld [tilespmem:s17+$0x87B0]  }
0x21: {  	v0 =	vld [tilespmem:s17+$0x7C0]  }
0x22: {  	v51 =	vld [tilespmem:s17+$0x87C0]  }
0x23: {  	v52 =	vld [tilespmem:s17+$0x7D0]  }
0x24: {  	v53 =	vld [tilespmem:s17+$0x87D0]  }
0x25: {  	v22 =	vld [tilespmem:s17+$0x7A0]  }
0x26: {  	v23 =	vld [tilespmem:s17+$0x87A0]  }
0x27: {  	v24 =	vld [tilespmem:s17+$0x730]  }
0x28: {  	v25 =	vld [tilespmem:s17+$0x8730]  }
0x29: {  	v54 =	vld [tilespmem:s17+$0x760]  }
0x2a: {  	v26 =	vld [tilespmem:s17+$0x780]  }
0x2b: {  	v27 =	vld [tilespmem:s17+$0x8780]  }
0x2c: {  	v28 =	vld [tilespmem:s17+$0x790]  }
0x2d: {  	v29 =	vld [tilespmem:s17+$0x8790]  }
0x2e: {  	v55 =	vld [tilespmem:s17+$0x6F0]  }
0x2f: {  	v56 =	vld [tilespmem:s17+$0x86F0]  }
0x30: {  	v32 =	vld [tilespmem:s17+$0x720]  }
0x31: {  	v33 =	vld [tilespmem:s17+$0x8720]  }
0x32: {  	v57 =	vld [tilespmem:s17+$0x740]  }
0x33: {  	v58 =	vld [tilespmem:s17+$0x8740]  }
0x34: {  	v59 =	vld [tilespmem:s17+$0x750]  }
0x35: {  	v60 =	vld [tilespmem:s17+$0x8750]  }
0x36: {  	v34 =	vld [tilespmem:s17+$0x6E0]  }
0x37: {  	v35 =	vld [tilespmem:s17+$0x86E0]  }
0x38: {  	v36 =	vld [tilespmem:s17+$0x700]  }
0x39: {  	v37 =	vld [tilespmem:s17+$0x8700]  }
0x3a: {  	v38 =	vld [tilespmem:s17+$0x710]  }
0x3b: {  	v39 =	vld [tilespmem:s17+$0x8710]  }
0x3c: {  	v40 =	vld [tilespmem:s17+$0x670]  }
0x3d: {  	v41 =	vld [tilespmem:s17+$0x8670]  }
0x3e: {  	v61 =	vld [tilespmem:s17+$0x6A0]  }
0x3f: {  	v42 =	vld [tilespmem:s17+$0x6C0]  }
0x40: {  	v43 =	vld [tilespmem:s17+$0x86C0]  }
0x41: {  	v44 =	vld [tilespmem:s17+$0x6D0]  }
0x42: {  	v45 =	vld [tilespmem:s17+$0x86D0]  }
0x43: {  	v46 =	vld [tilespmem:s17+$0x630]  }
0x44: {  	v47 =	vld [tilespmem:s17+$0x8630]  }
0x45: {  	v48 =	vld [tilespmem:s17+$0x660]  }
0x46: {  	v49 =	vld [tilespmem:s17+$0x8660]  }
0x47: {  	v62 =	vld [tilespmem:s17+$0x680]  }
0x48: {  	v63 =	vld [tilespmem:s17+$0x8680]  }
0x49: {  	v4 =	vld [tilespmem:s17+$0x690]  }
0x4a: {  	v5 =	vld [tilespmem:s17+$0x8690]  }
0x4b: {  	v50 =	vld [tilespmem:s17+$0x620]  }
0x4c: {  	v6 =	vld [tilespmem:s17+$0x5E0]  }
0x4d: {  	v13 =	vld [tilespmem:s17+$0x5A0]  }
0x4e: {  	v10 =	vld [tilespmem:s17+$0x85A0]  }
0x4f: {  	v7 =	vld [tilespmem:s17+$0x5C0]  }
0x50: {  	v8 =	vld [tilespmem:s17+$0x85C0]  }
0x51: {  	v9 =	vld [tilespmem:s17+$0x5D0]  }
0x52: {  	v11 =	vld [tilespmem:s17+$0x85D0]  }
0x53: {  	v15 =	vld [tilespmem:s17+$0x560]  }
0x54: {  	v14 =	vld [tilespmem:s17+$0x8560]  }
0x55: {  	v3 =	vld [tilespmem:s17+$0x580]  }
0x56: {  	v2 =	vld [tilespmem:s17+$0x8580]  }
0x57: {  	v1 =	vld [tilespmem:s17+$0x590]  }
0x58: {  	v17 =	vld [tilespmem:s17+$0x4F0]  }
0x59: {  	v16 =	vld [tilespmem:s17+$0x84F0]  }
0x5a: {  	v31 =	vld [tilespmem:s17+$0x4B0]  }
0x5b: {  	v30 =	vld [tilespmem:s17+$0x84B0]  }
0x5c: {  	v19 =	vld [tilespmem:s17+$0x430]  }
0x5d: {  	v18 =	vld [tilespmem:s17+$0x8430]  }
0x5e: {  	v12 =	vld [tilespmem:s17+$0x4A0]  }
0x5f: {  	[tilespmem:$0x1FE70] =	vst v51;
	v51 =	vld [tilespmem:s17+$0x8620]  }
0x60: {  	[tilespmem:$0x1FE80] =	vst v52;
	v52 =	vld [tilespmem:s17+$0x640]  }
0x61: {  	[tilespmem:$0x1FE90] =	vst v53;
	v53 =	vld [tilespmem:s17+$0x8640]  }
0x62: {  	[tilespmem:$0x1FE50] =	vst v54;
	v54 =	vld [tilespmem:s17+$0x650]  }
0x63: {  	[tilespmem:$0x1FD00] =	vst v55;
	v55 =	vld [tilespmem:s17+$0x8650]  }
0x64: {  	[tilespmem:$0x1FD10] =	vst v56;
	v56 =	vld [tilespmem:s17+$0x5B0]  }
0x65: {  	[tilespmem:$0x1FE10] =	vst v57;
	v57 =	vld [tilespmem:s17+$0x85B0]  }
0x66: {  	[tilespmem:$0x1FE20] =	vst v58;
	v58 =	vld [tilespmem:s17+$0x600]  }
0x67: {  	[tilespmem:$0x1FE30] =	vst v59;
	v59 =	vld [tilespmem:s17+$0x8600]  }
0x68: {  	[tilespmem:$0x1FE40] =	vst v60;
	v60 =	vld [tilespmem:s17+$0x610]  }
0x69: {  	[tilespmem:$0x1FE00] =	vst v61;
	v61 =	vld [tilespmem:s17+$0x8610]  }
0x6a: {  	[tilespmem:$0x1FDC0] =	vst v62;
	v62 =	vld [tilespmem:s17+$0x570]  }
0x6b: {  	[tilespmem:$0x1FDD0] =	vst v63;
	v63 =	vld [tilespmem:s17+$0x8570]  }
0x6c: {  	[tilespmem:$0x1FE60] =	vst v0;
	v0 =	vld [tilespmem:s17+$0x8590]  }
0x6d: {  	[tilespmem:$0x1FDE0] =	vst v4;
	v4 =	vld [tilespmem:s17+$0x520]  }
0x6e: {  	[tilespmem:$0x1FD70] =	vst v7;
	v7 =	vld [tilespmem:s17+$0x540]  }
0x6f: {  	[tilespmem:$0x1FDB0] =	vst v6;
	v6 =	vld [tilespmem:s17+$0x8540]  }
0x70: {  	[tilespmem:$0x1FDF0] =	vst v5;
	v5 =	vld [tilespmem:s17+$0x550]  }
0x71: {  	[tilespmem:$0x1FD90] =	vst v9;
	v9 =	vld [tilespmem:s17+$0x4E0]  }
0x72: {  	[tilespmem:$0x1FD80] =	vst v8;
	v8 =	vld [tilespmem:s17+$0x84E0]  }
0x73: {  	[tilespmem:$0x1FDA0] =	vst v11;
	v11 =	vld [tilespmem:s17+$0x500]  }
0x74: {  	v26 =	vmul.f32 v27, v26;
	v27 =	vmul.f32 v29, v28;
	v28 =	vld [tilespmem:s17+$0x4C0]  }
0x75: {  	v29 =	vmul.f32 v37, v36;
	v37 =	vld [tilespmem:s17+$0x84C0]  }
0x76: {  	v22 =	vmul.f32 v23, v22;
	v23 =	vld [tilespmem:s17+$0x4D0]  }
0x77: {  	v24 =	vmul.f32 v25, v24;
	v25 =	vld [tilespmem:s17+$0x8420]  }
0x78: {  	v36 =	vmul.f32 v39, v38;
	v39 =	vld [tilespmem:$0x1FD70]  }
0x79: {  	v20 =	vmul.f32 v21, v20;
	v40 =	vmul.f32 v41, v40;
	v41 =	vld [tilespmem:$0x1FD90]  }
0x7a: {  	v26 =	vadd.f32 v27, v26;
	v21 =	vadd.f32 v36, v29;
	v27 =	vmul.f32 v33, v32;
	v29 =	vld [tilespmem:s17+$0x84D0]  }
0x7b: {  	v33 =	vld [tilespmem:s17+$0x420]  }
0x7c: {  	v21 =	vadd.f32 v27, v21;
	v27 =	vld [tilespmem:s17+$0x480]  }
0x7d: {  	[tilespmem:$0x1FD60] =	vst v4;
	v4 =	vld [tilespmem:s17+$0x8550]  }
0x7e: {  	[tilespmem:$0x1FD20] =	vst v11;
	v11 =	vld [tilespmem:s17+$0x8500]  }
0x7f: {  	v22 =	vadd.f32 v22, v26;
	v26 =	vmul.f32 v43, v42;
	v43 =	vmul.f32 v53, v52;
	v52 =	vld [tilespmem:s17+$0x490]  }
0x80: {  	v53 =	vld [tilespmem:$0x1FD00]  }
0x81: {  	v42 =	vmul.f32 v45, v44;
	v44 =	vmul.f32 v55, v54;
	v54 =	vld [tilespmem:$0x1FD10]  }
0x82: {  	v45 =	vmul.f32 v61, v60;
	v60 =	vld [tilespmem:s17+$0x8400]  }
0x83: {  	v61 =	vld [tilespmem:s17+$0x400]  }
0x84: {  	v55 =	vmul.f32 v49, v48;
	v48 =	vmul.f32 v14, v15;
	v14 =	vld [tilespmem:s17+$0x450]  }
0x85: {  	v49 =	vld [tilespmem:s17+$0x8450]  }
0x86: {  	v21 =	vadd.f32 v24, v21;
	v24 =	vld [tilespmem:s17+$0x8480]  }
0x87: {  	v20 =	vadd.f32 v20, v22;
	v22 =	vadd.f32 v42, v26;
	v42 =	vld [tilespmem:s17+$0x410]  }
0x88: {  	v15 =	vmul.f32 v63, v62;
	v62 =	vld [tilespmem:$0x1FD20]  }
0x89: {  	v26 =	vmul.f32 v35, v34;
	v35 =	vld [tilespmem:s17+$0x5F0]  }
0x8a: {  	v36 =	vld [tilespmem:$0x1FD60]  }
0x8b: {  	v32 =	vadd.f32 v44, v43;
	v43 =	vmul.f32 v10, v13;
	v44 =	vld [tilespmem:s17+$0x8410]  }
0x8c: {  	v13 =	vmul.f32 v29, v23;
	v23 =	vmul.f32 v57, v56;
	v56 =	vld [tilespmem:s17+$0x8520]  }
0x8d: {  	[tilespmem:$0x1FD30] =	vst v11;
	v11 =	vld [tilespmem:s17+$0x510]  }
0x8e: {  	v22 =	vadd.f32 v26, v22;
	v26 =	vmul.f32 v59, v58;
	v58 =	vld [tilespmem:s17+$0x8490]  }
0x8f: {  	v59 =	vmul.f32 v51, v50;
	v51 =	vmul.f32 v16, v17;
	v16 =	vld [tilespmem:s17+$0x8460]  }
0x90: {  	v32 =	vadd.f32 v55, v32;
	v55 =	vmul.f32 v49, v14;
	v14 =	vld [tilespmem:s17+$0x8530]  }
0x91: {  	v38 =	vmul.f32 v54, v53;
	v26 =	vadd.f32 v45, v26;
	v50 =	vmul.f32 v24, v27;
	v24 =	vld [tilespmem:s17+$0x460]  }
0x92: {  	v6 =	vmul.f32 v6, v7;
	v4 =	vmul.f32 v4, v5;
	v32 =	vadd.f32 v40, v32;
	[tilespmem:$0x1FD40] =	vst v11;
	v11 =	vld [tilespmem:s17+$0x8510]  }
0x93: {  	(xrf2) =	vadd.scan.msk.f32 $0xffff, v20;
	v40 =	vld [tilespmem:$0x1FD80];
	v38 =	vadd.f32 v38, v22;
	v22 =	vadd.f32 v59, v26;
	v26 =	vmul.f32 v47, v46  }
0x94: {  	(xrf2) =	vadd.scan.msk.f32 $0xffff, v21;
	v46 =	vld [tilespmem:s17+$0x440];
	v4 =	vadd.f32 v4, v6  }
0x95: {  	v2 =	vmul.f32 v2, v3;
	v0 =	vmul.f32 v0, v1;
	v45 =	vadd.f32 v26, v22;
	v22 =	vld [tilespmem:s17+$0x8440];
	(xrf2) =	vadd.scan.msk.f32 $0xffff, v38  }
0x96: {  	v4 =	vadd.f32 v48, v4;
	(xrf2) =	vadd.scan.msk.f32 $0xffff, v32;
	v32 =	vld [tilespmem:$0x1FD40]  }
0x97: {  	v0 =	vadd.f32 v0, v2;
	[tilespmem:$0x1FD50] =	vst v11;
	v11 =	vld [tilespmem:s17+$0x84A0]  }
0x98: {  	v47 =	vmul.f32 v37, v28;
	v4 =	vadd.f32 v15, v4;
	v15 =	vld [tilespmem:$0x1FD50]  }
0x99: {  	v0 =	vadd.f32 v43, v0;
	v37 =	vld [tilespmem:s17+$0x85F0]  }
0x9a: {  	v10 =	vmul.f32 v44, v42;
	v42 =	vld [tilespmem:$0x1FDA0];
	v2 =	vadd.f32 v13, v47;
	v13 =	vmul.f32 v58, v52  }
0x9b: {  	v1 =	vmul.f32 v60, v61;
	v0 =	vadd.f32 v23, v0;
	v47 =	vld [tilespmem:$0x1FDB0]  }
0x9c: {  	v6 =	vadd.f32 v13, v50;
	v13 =	vld [tilespmem:s17+$0x530];
	v54 =	vmul.f32 v22, v46;
	v11 =	vmul.f32 v11, v12  }
0x9d: {  	v1 =	vadd.f32 v10, v1;
	v58 =	vmul.f32 v25, v33;
	v10 =	vmul.f32 v15, v32;
	v15 =	vld [tilespmem:s17+$0x85E0]  }
0x9e: {  	v52 =	vld [tilespmem:s17+$0x8470];
	(xrf2) =	vadd.scan.msk.f32 $0xffff, v45;
	v60 =	vmul.f32 v16, v24;
	v53 =	vadd.f32 v11, v6;
	v6 =	vadd.f32 v55, v54  }
0x9f: {  	v61 =	vadd.f32 v58, v1;
	(xrf2) =	vadd.scan.msk.f32 $0xffff, v0;
	v12 =	vld [tilespmem:s17+$0x470]  }
0xa0: {  	v58 =	vld [tilespmem:$0x1FE10];
	(xrf2) =	vadd.scan.msk.f32 $0xffff, v4;
	v4 =	vmul.f32 v40, v39;
	v33 =	vadd.f32 v60, v6;
	v6 =	vmul.f32 v42, v41  }
0xa1: {  	v45 =	vmul.f32 v14, v13;
	v14 =	vld [tilespmem:$0x1FE20]  }
0xa2: {  	v17 =	vld [tilespmem:$0x1FE70];
	v4 =	vadd.f32 v6, v4;
	v6 =	vmul.f32 v15, v47  }
0xa3: {  	v63 =	vld [tilespmem:$0x1FD30]  }
0xa4: {  	v5 =	vmul.f32 v37, v35;
	v34 =	vmul.f32 v52, v12;
	v52 =	vld [tilespmem:$0x1FDE0];
	v4 =	vadd.f32 v6, v4  }
0xa5: {  	v15 =	vld [tilespmem:$0x1FE40]  }
0xa6: {  	v4 =	vadd.f32 v5, v4;
	v5 =	vmul.f32 v14, v58;
	v14 =	vld [tilespmem:$0x1FE30]  }
0xa7: {  	v8 =	vmul.f32 v8, v9;
	v12 =	vld [tilespmem:$0x1FDF0]  }
0xa8: {  	v43 =	vld [tilespmem:s17+$0x86A0]  }
0xa9: {  	v48 =	vld [tilespmem:s17+$0x86B0];
	v2 =	vadd.f32 v8, v2  }
0xaa: {  	v57 =	vmul.f32 v30, v31;
	v50 =	vld [tilespmem:$0x1FDC0]  }
0xab: {  	v59 =	vmul.f32 v18, v19;
	v2 =	vadd.f32 v51, v2;
	v51 =	vld [tilespmem:$0x1FDD0];
	v14 =	vmul.f32 v15, v14  }
0xac: {  	v1 =	vmul.f32 v63, v62;
	v11 =	vmul.f32 v12, v52;
	v12 =	vld [tilespmem:s17+$0x8760]  }
0xad: {  	v3 =	vadd.f32 v57, v53;
	v5 =	vadd.f32 v14, v5;
	v14 =	vld [tilespmem:$0x1FE50]  }
0xae: {  	v0 =	vadd.f32 v59, v61;
	(xrf2) =	vadd.scan.msk.f32 $0xffff, v2;
	v2 =	vmul.f32 v56, v36;
	v55 =	vld [tilespmem:$0x1FE00];
	v1 =	vadd.f32 v10, v1  }
0xaf: {  	v62 =	vld [tilespmem:$0x1FE60];
	(xrf2) =	vadd.scan.msk.f32 $0xffff, v3;
	v38 =	vadd.f32 v34, v33  }
0xb0: {  	v46 =	vld [tilespmem:s17+$0x6B0];
	v44 =	vadd.f32 v2, v1;
	(xrf2) =	vadd.scan.msk.f32 $0xffff, v0  }
0xb1: {  	v63 =	vld [tilespmem:$0x1FE80];
	v9, _, _ =	vpop (xrf2);
	v1 =	vmul.f32 v51, v50;
	(xrf2) =	vadd.scan.msk.f32 $0xffff, v38  }
0xb2: {  	v49, _, _ =	vpop (xrf2);
	v56 =	vld [tilespmem:s17+$0x8770];
	v0 =	vadd.f32 v45, v44;
	v12 =	vmul.f32 v12, v14  }
0xb3: {  	v13, _, _ =	vpop (xrf2);
	v53 =	vld [tilespmem:s17+$0x770];
	v8 =	vmul.f32 v43, v55;
	v1 =	vadd.f32 v11, v1  }
0xb4: {  	v54, _, _ =	vpop (xrf2);
	(xrf2) =	vadd.scan.msk.f32 $0xffff, v0;
	v5 =	vadd.f32 v12, v5;
	v12 =	vld [tilespmem:$0x1FE90]  }
0xb5: {  	v59 =	vld [tilespmem:s17+$0x87E0];
	v57, _, _ =	vpop (xrf2);
	v2 =	vmul.f32 v48, v46;
	v1 =	vadd.f32 v8, v1  }
0xb6: {  	v16, _, _ =	vpop (xrf2);
	v15 =	vld [tilespmem:s17+$0x7E0]  }
0xb7: {  	v60, _, _ =	vpop (xrf2);
	(xrf2) =	vadd.scan.msk.f32 $0xffff, v4;
	v1 =	vadd.f32 v2, v1;
	v2 =	vmul.f32 v17, v62;
	v17 =	vld [tilespmem:s17+$0x87F0]  }
0xb8: {  	v61, _, _ =	vpop (xrf2);
	v14 =	vld [tilespmem:s17+$0x7F0]  }
0xb9: {  	v6 =	vmul.f32 v56, v53;
	v18, _, _ =	vpop (xrf2);
	v11 =	vmul.f32 v12, v63  }
0xba: {  	(xrf2) =	vadd.scan.msk.f32 $0xffff, v1;
	v12, _, _ =	vpop (xrf2)  }
0xbb: {  	v33 =	vmul.f32 v59, v15;
	v32 =	vadd.f32 v6, v5;
	v34, _, _ =	vpop (xrf2);
	v2 =	vadd.f32 v11, v2  }
0xbc: {  	v35 =	vbroadcast v12, $0xF;
	v6 =	vbroadcast v34, $0xF  }
0xbd: {  	v36 =	vbroadcast v18, $0xF;
	v37 =	vmul.f32 v17, v14;
	(xrf2) =	vadd.scan.msk.f32 $0xffff, v32;
	v2 =	vadd.f32 v33, v2  }
0xbe: {  	v4 =	vbroadcast v61, $0xF;
	v39, _, _ =	vpop (xrf2);
	v38 =	vsel vm0, v35, v6  }
0xbf: {  	v6 =	vbroadcast v39, $0xF;
	v1 =	vsel vm1, v38, v36;
	v2 =	vadd.f32 v37, v2  }
0xc0: {  	v40 =	vbroadcast v60, $0xF;
	v1 =	vsel vm2, v1, v4  }
0xc1: {  	v41 =	vbroadcast v16, $0xF;
	v42, _, _ =	vpop (xrf2);
	v1 =	vsel vm3, v1, v6;
	(xrf2) =	vadd.scan.msk.f32 $0xffff, v2  }
0xc2: {  	v43 =	vbroadcast v42, $0xF;
	v1 =	vsel vm4, v1, v40  }
0xc3: {  	v0 =	vbroadcast v57, $0xF;
	v1 =	vsel vm5, v1, v41  }
0xc4: {  	v44 =	vbroadcast v54, $0xF;
	v45, _, _ =	vpop (xrf2);
	v1 =	vsel vm6, v1, v43  }
0xc5: {  	v46 =	vbroadcast v45, $0xF;
	v0 =	vsel vm7, v1, v0  }
0xc6: {  	v47 =	vbroadcast v13, $0xF;
	v0 =	vsel vm8, v0, v44  }
0xc7: {  	v48 =	vbroadcast v49, $0xF;
	v49, _, _ =	vpop (xrf2);
	v0 =	vsel vm9, v0, v46  }
0xc8: {  	v50 =	vbroadcast v49, $0xF;
	v0 =	vsel vm10, v0, v47  }
0xc9: {  	v51 =	vbroadcast v9, $0xF;
	v0 =	vsel vm11, v0, v48  }
0xca: {  	v0 =	vsel vm12, v0, v50  }
0xcb: {  	v0 =	vsel vm13, v0, v51;
	v52, _, _ =	vpop (xrf2)  }
0xcc: {  	v0 =	vsel vm14, v0, v52  }
0xcd: {  	s17 =	simm.s32 $0x400;
	[tilespmem:s15+$0x0] =	vst v0  }
0xce: {  	v6 =	vld [tilespmem:s17+$0x7B0]  }
0xcf: {  	v9 =	vld [tilespmem:s17+$0x87B0]  }
0xd0: {  	v0 =	vld [tilespmem:s17+$0x7C0]  }
0xd1: {  	v53 =	vld [tilespmem:s17+$0x87C0]  }
0xd2: {  	v54 =	vld [tilespmem:s17+$0x7D0]  }
0xd3: {  	v55 =	vld [tilespmem:s17+$0x87D0]  }
0xd4: {  	v56 =	vld [tilespmem:s17+$0x7A0]  }
0xd5: {  	v31 =	vld [tilespmem:s17+$0x87A0]  }
0xd6: {  	v11 =	vld [tilespmem:s17+$0x730]  }
0xd7: {  	v12 =	vld [tilespmem:s17+$0x8730]  }
0xd8: {  	v57 =	vld [tilespmem:s17+$0x760]  }
0xd9: {  	v26 =	vld [tilespmem:s17+$0x780]  }
0xda: {  	v32 =	vld [tilespmem:s17+$0x8780]  }
0xdb: {  	v33 =	vld [tilespmem:s17+$0x790]  }
0xdc: {  	v34 =	vld [tilespmem:s17+$0x8790]  }
0xdd: {  	v14 =	vld [tilespmem:s17+$0x6F0]  }
0xde: {  	v23 =	vld [tilespmem:s17+$0x86F0]  }
0xdf: {  	v58 =	vld [tilespmem:s17+$0x720]  }
0xe0: {  	v63 =	vld [tilespmem:s17+$0x8720]  }
0xe1: {  	v59 =	vld [tilespmem:s17+$0x740]  }
0xe2: {  	v60 =	vld [tilespmem:s17+$0x8740]  }
0xe3: {  	v61 =	vld [tilespmem:s17+$0x750]  }
0xe4: {  	v62 =	vld [tilespmem:s17+$0x8750]  }
0xe5: {  	v36 =	vld [tilespmem:s17+$0x6E0]  }
0xe6: {  	v35 =	vld [tilespmem:s17+$0x86E0]  }
0xe7: {  	v43 =	vld [tilespmem:s17+$0x700]  }
0xe8: {  	v44 =	vld [tilespmem:s17+$0x8700]  }
0xe9: {  	v45 =	vld [tilespmem:s17+$0x710]  }
0xea: {  	v46 =	vld [tilespmem:s17+$0x8710]  }
0xeb: {  	v5 =	vld [tilespmem:s17+$0x670]  }
0xec: {  	v7 =	vld [tilespmem:s17+$0x8670]  }
0xed: {  	v4 =	vld [tilespmem:s17+$0x6A0]  }
0xee: {  	v49 =	vld [tilespmem:s17+$0x6C0]  }
0xef: {  	v1 =	vld [tilespmem:s17+$0x86C0]  }
0xf0: {  	v2 =	vld [tilespmem:s17+$0x6D0]  }
0xf1: {  	v52 =	vld [tilespmem:s17+$0x86D0]  }
0xf2: {  	v3 =	vld [tilespmem:s17+$0x630]  }
0xf3: {  	v8 =	vld [tilespmem:s17+$0x680]  }
0xf4: {  	v10 =	vld [tilespmem:s17+$0x8680]  }
0xf5: {  	v37 =	vld [tilespmem:s17+$0x690]  }
0xf6: {  	v38 =	vld [tilespmem:s17+$0x8690]  }
0xf7: {  	v50 =	vld [tilespmem:s17+$0x620]  }
0xf8: {  	v39 =	vld [tilespmem:s17+$0x8620]  }
0xf9: {  	v13 =	vld [tilespmem:s17+$0x5B0]  }
0xfa: {  	v20 =	vld [tilespmem:s17+$0x85B0]  }
0xfb: {  	v40 =	vld [tilespmem:s17+$0x5E0]  }
0xfc: {  	v48 =	vld [tilespmem:s17+$0x8600]  }
0xfd: {  	v47 =	vld [tilespmem:s17+$0x8610]  }
0xfe: {  	v15 =	vld [tilespmem:s17+$0x5C0]  }
0xff: {  	v16 =	vld [tilespmem:s17+$0x85C0]  }
0x100: {  	v17 =	vld [tilespmem:s17+$0x5D0]  }
0x101: {  	v18 =	vld [tilespmem:s17+$0x85D0]  }
0x102: {  	v41 =	vld [tilespmem:s17+$0x560]  }
0x103: {  	v42 =	vld [tilespmem:s17+$0x8560]  }
0x104: {  	v22 =	vld [tilespmem:s17+$0x8580]  }
0x105: {  	v21 =	vld [tilespmem:s17+$0x8590]  }
0x106: {  	v29 =	vld [tilespmem:s17+$0x4F0]  }
0x107: {  	v30 =	vld [tilespmem:s17+$0x84F0]  }
0x108: {  	v19 =	vld [tilespmem:s17+$0x520]  }
0x109: {  	v27 =	vld [tilespmem:s17+$0x4B0]  }
0x10a: {  	v28 =	vld [tilespmem:s17+$0x84B0]  }
0x10b: {  	v51 =	vld [tilespmem:s17+$0x4E0]  }
0x10c: {  	v24 =	vld [tilespmem:s17+$0x8500]  }
0x10d: {  	v25 =	vld [tilespmem:s17+$0x510]  }
0x10e: {  	[tilespmem:$0x1FF30] =	vst v4;
	v4 =	vld [tilespmem:s17+$0x8630]  }
0x10f: {  	[tilespmem:$0x1FFA0] =	vst v58;
	v58 =	vld [tilespmem:s17+$0x660]  }
0x110: {  	[tilespmem:$0x1FEE0] =	vst v57;
	v57 =	vld [tilespmem:s17+$0x8660]  }
0x111: {  	[tilespmem:$0x1FEF0] =	vst v59;
	v59 =	vld [tilespmem:s17+$0x640]  }
0x112: {  	[tilespmem:$0x1FF00] =	vst v60;
	v60 =	vld [tilespmem:s17+$0x8640]  }
0x113: {  	[tilespmem:$0x1FF10] =	vst v61;
	v61 =	vld [tilespmem:s17+$0x650]  }
0x114: {  	[tilespmem:$0x1FF20] =	vst v62;
	v62 =	vld [tilespmem:s17+$0x8650]  }
0x115: {  	[tilespmem:$0x1FEC0] =	vst v54;
	v54 =	vld [tilespmem:s17+$0x600]  }
0x116: {  	[tilespmem:$0x1FEB0] =	vst v53;
	v53 =	vld [tilespmem:s17+$0x610]  }
0x117: {  	[tilespmem:$0x1FF40] =	vst v8;
	v8 =	vld [tilespmem:s17+$0x570]  }
0x118: {  	[tilespmem:$0x1FF50] =	vst v10;
	v10 =	vld [tilespmem:s17+$0x8570]  }
0x119: {  	[tilespmem:$0x1FF90] =	vst v56;
	v56 =	vld [tilespmem:s17+$0x5A0]  }
0x11a: {  	[tilespmem:$0x1FED0] =	vst v55;
	v55 =	vld [tilespmem:s17+$0x85A0]  }
0x11b: {  	[tilespmem:$0x1FF70] =	vst v38;
	v38 =	vld [tilespmem:s17+$0x580]  }
0x11c: {  	[tilespmem:$0x1FF60] =	vst v37;
	v37 =	vld [tilespmem:s17+$0x590]  }
0x11d: {  	[tilespmem:$0x1FFD0] =	vst v42;
	v42 =	vld [tilespmem:s17+$0x540]  }
0x11e: {  	[tilespmem:$0x1FF80] =	vst v40;
	v40 =	vld [tilespmem:s17+$0x8540]  }
0x11f: {  	[tilespmem:$0x1FFC0] =	vst v41;
	v41 =	vld [tilespmem:s17+$0x550]  }
0x120: {  	[tilespmem:$0x1FFB0] =	vst v39;
	v39 =	vld [tilespmem:s17+$0x8550]  }
0x121: {  	[tilespmem:$0x1FFE0] =	vst v51;
	v51 =	vld [tilespmem:s17+$0x84E0]  }
0x122: {  	v32 =	vmul.f32 v32, v26;
	v26 =	vld [tilespmem:s17+$0x8510];
	v43 =	vmul.f32 v44, v43  }
0x123: {  	v44 =	vmul.f32 v46, v45;
	v45 =	vmul.f32 v1, v49;
	v49 =	vld [tilespmem:s17+$0x4D0]  }
0x124: {  	v1 =	vld [tilespmem:s17+$0x480]  }
0x125: {  	v33 =	vmul.f32 v34, v33;
	v34 =	vld [tilespmem:$0x1FF90]  }
0x126: {  	v46 =	vmul.f32 v52, v2;
	v52 =	vld [tilespmem:$0x1FFA0]  }
0x127: {  	v5 =	vmul.f32 v7, v5;
	v7 =	vld [tilespmem:$0x1FFB0]  }
0x128: {  	[tilespmem:$0x1FEA0] =	vst v0;
	v0 =	vadd.f32 v33, v32;
	v32 =	vld [tilespmem:s17+$0x8430]  }
0x129: {  	v33 =	vld [tilespmem:s17+$0x4A0]  }
0x12a: {  	v45 =	vadd.f32 v46, v45;
	v46 =	vld [tilespmem:s17+$0x4C0]  }
0x12b: {  	v43 =	vadd.f32 v44, v43;
	v44 =	vld [tilespmem:s17+$0x84C0]  }
0x12c: {  	v6 =	vmul.f32 v9, v6;
	v35 =	vmul.f32 v35, v36;
	[tilespmem:$0x1FFF0] =	vst v51;
	v51 =	vld [tilespmem:s17+$0x500]  }
0x12d: {  	v21 =	vmul.f32 v21, v37;
	v37 =	vld [tilespmem:s17+$0x8400];
	v34 =	vmul.f32 v31, v34  }
0x12e: {  	v22 =	vmul.f32 v22, v38;
	v38 =	vld [tilespmem:s17+$0x400];
	v2 =	vmul.f32 v63, v52  }
0x12f: {  	v11 =	vmul.f32 v12, v11;
	v39 =	vmul.f32 v39, v41;
	v41 =	vld [tilespmem:s17+$0x8410];
	v0 =	vadd.f32 v34, v0  }
0x130: {  	v35 =	vadd.f32 v35, v45;
	v40 =	vmul.f32 v40, v42;
	v31 =	vld [tilespmem:s17+$0x430];
	v9 =	vadd.f32 v2, v43  }
0x131: {  	v52 =	vmul.f32 v23, v14;
	v63 =	vmul.f32 v57, v58;
	v57 =	vld [tilespmem:$0x1FFC0];
	v0 =	vadd.f32 v6, v0  }
0x132: {  	v58 =	vld [tilespmem:$0x1FFD0];
	v36 =	vadd.f32 v11, v9  }
0x133: {  	v40 =	vadd.f32 v39, v40;
	v39 =	vld [tilespmem:s17+$0x410];
	v45 =	vadd.f32 v52, v35;
	(xrf2) =	vadd.scan.msk.f32 $0xffff, v0  }
0x134: {  	v60 =	vmul.f32 v60, v59;
	v62 =	vmul.f32 v62, v61;
	v34 =	vld [tilespmem:s17+$0x84A0];
	(xrf2) =	vadd.scan.msk.f32 $0xffff, v36  }
0x135: {  	v48 =	vmul.f32 v48, v54;
	v47 =	vmul.f32 v47, v53;
	v43 =	vld [tilespmem:s17+$0x84D0];
	(xrf2) =	vadd.scan.msk.f32 $0xffff, v45  }
0x136: {  	v21 =	vadd.f32 v21, v22;
	v52 =	vld [tilespmem:s17+$0x8480]  }
0x137: {  	v22 =	vmul.f32 v55, v56;
	v6 =	vadd.f32 v47, v48;
	v48 =	vld [tilespmem:s17+$0x490];
	v0 =	vadd.f32 v62, v60  }
0x138: {  	v9 =	vmul.f32 v7, v50;
	v11 =	vld [tilespmem:s17+$0x8490]  }
0x139: {  	v21 =	vadd.f32 v22, v21;
	v22 =	vmul.f32 v20, v13;
	v62 =	vld [tilespmem:$0x1FFE0];
	v0 =	vadd.f32 v63, v0  }
0x13a: {  	v56 =	vmul.f32 v4, v3;
	v55 =	vadd.f32 v9, v6;
	v63 =	vld [tilespmem:$0x1FFF0]  }
0x13b: {  	v35 =	vld [tilespmem:s17+$0x420];
	v59 =	vmul.f32 v58, v57;
	v22 =	vadd.f32 v22, v21;
	v0 =	vadd.f32 v5, v0  }
0x13c: {  	v44 =	vmul.f32 v44, v46;
	v36 =	vld [tilespmem:s17+$0x8420];
	v43 =	vmul.f32 v43, v49;
	v42 =	vadd.f32 v56, v55  }
0x13d: {  	v61 =	vmul.f32 v10, v8;
	v60 =	vadd.f32 v59, v40;
	v40 =	vld [tilespmem:s17+$0x440];
	(xrf2) =	vadd.scan.msk.f32 $0xffff, v0;
	v54, _, _ =	vpop (xrf2)  }
0x13e: {  	v47 =	vmul.f32 v52, v1;
	v45 =	vadd.f32 v43, v44;
	v43 =	vld [tilespmem:s17+$0x450];
	(xrf2) =	vadd.scan.msk.f32 $0xffff, v42;
	v21, _, _ =	vpop (xrf2)  }
0x13f: {  	s19 =	simm.s32 $0x2000;
	s18 =	simm.s32 $0x10400;
	v48 =	vmul.f32 v11, v48;
	v44 =	vadd.f32 v61, v60;
	v46 =	vmul.f32 v63, v62;
	v42 =	vld [tilespmem:s17+$0x8440];
	(xrf2) =	vadd.scan.msk.f32 $0xffff, v22;
	v22, _, _ =	vpop (xrf2)  }
.LBB2_2:
0x140: {  	v49 =	vld [tilespmem:s17+$0x8450]  }
0x141: {  	v9 =	vld [tilespmem:s17+$0x8460]  }
0x142: {  	v10 =	vld [tilespmem:s17+$0x470]  }
0x143: {  	v50 =	vld [tilespmem:s17+$0x8530]  }
0x144: {  	v15 =	vmul.f32 v16, v15;
	v16 =	vmul.f32 v18, v17;
	v17 =	vld [tilespmem:s17+$0x86A0]  }
0x145: {  	v52 =	vld [tilespmem:$0x1FF40]  }
0x146: {  	v1 =	vld [tilespmem:$0x1FF50]  }
0x147: {  	v53 =	vld [tilespmem:$0x1FF60]  }
0x148: {  	v55 =	vld [tilespmem:$0x1FF70]  }
0x149: {  	v12 =	vld [tilespmem:s17+$0x8760]  }
0x14a: {  	v56 =	vld [tilespmem:$0x1FF30]  }
0x14b: {  	v57 =	vld [tilespmem:s17+$0x8770]  }
0x14c: {  	v58 =	vld [tilespmem:$0x1FEF0]  }
0x14d: {  	v59 =	vld [tilespmem:$0x1FF00]  }
0x14e: {  	v60 =	vld [tilespmem:$0x1FF10]  }
0x14f: {  	v61 =	vld [tilespmem:$0x1FF20]  }
0x150: {  	v62 =	vld [tilespmem:$0x1FEE0];
	v45 =	vadd.f32 v46, v45;
	v0 =	vmul.f32 v30, v29;
	v33 =	vmul.f32 v34, v33  }
0x151: {  	v6 =	vadd.f32 v48, v47;
	v30 =	vld [tilespmem:s17+$0x460];
	v7 =	vmul.f32 v37, v38;
	v8 =	vmul.f32 v41, v39  }
0x152: {  	(xrf2) =	vadd.scan.msk.f32 $0xffff, v44;
	v47 =	vld [tilespmem:s17+$0x8520];
	v15 =	vadd.f32 v16, v15;
	v27 =	vmul.f32 v28, v27;
	v11 =	vmul.f32 v36, v35  }
0x153: {  	v44 =	vld [tilespmem:s17+$0x8470];
	v31 =	vmul.f32 v32, v31;
	v0 =	vadd.f32 v0, v45;
	v33 =	vadd.f32 v33, v6  }
0x154: {  	v48 =	vld [tilespmem:s17+$0x530];
	v46 =	vmul.f32 v49, v43;
	v28 =	vadd.f32 v8, v7;
	v45 =	vmul.f32 v42, v40  }
0x155: {  	v16 =	vld [tilespmem:s17+$0x86B0];
	v23 =	vmul.f32 v24, v51;
	v24 =	vmul.f32 v26, v25;
	v29, _, _ =	vpop (xrf2);
	(xrf2) =	vadd.scan.msk.f32 $0xffff, v0;
	v27 =	vadd.f32 v27, v33  }
0x156: {  	v25 =	vld [tilespmem:s17+$0x85E0];
	v28 =	vadd.f32 v11, v28;
	v49 =	vadd.f32 v46, v45;
	v30 =	vmul.f32 v9, v30  }
0x157: {  	v51 =	vld [tilespmem:$0x1FF80];
	v23 =	vadd.f32 v24, v23;
	v20 =	vmul.f32 v47, v19  }
0x158: {  	v24 =	vld [tilespmem:s17+$0x85F0];
	v39, _, _ =	vpop (xrf2);
	(xrf2) =	vadd.scan.msk.f32 $0xffff, v27;
	v27 =	vadd.f32 v31, v28;
	v28 =	vadd.f32 v30, v49;
	v30 =	vmul.f32 v44, v10  }
0x159: {  	v31 =	vld [tilespmem:s17+$0x5F0]  }
0x15a: {  	v32 =	vld [tilespmem:$0x1FEB0];
	v20 =	vadd.f32 v20, v23;
	v23 =	vmul.f32 v50, v48;
	v26, _, _ =	vpop (xrf2);
	(xrf2) =	vadd.scan.msk.f32 $0xffff, v27;
	v27 =	vadd.f32 v30, v28  }
0x15b: {  	v35 =	vld [tilespmem:$0x1FEC0];
	v11 =	vmul.f32 v55, v53;
	v10 =	vmul.f32 v1, v52  }
0x15c: {  	v14 =	vmul.f32 v25, v51;
	v18, _, _ =	vpop (xrf2);
	v28 =	vld [tilespmem:s17+$0x6B0];
	(xrf2) =	vadd.scan.msk.f32 $0xffff, v27  }
0x15d: {  	v36 =	vld [tilespmem:$0x1FED0];
	v9 =	vmul.f32 v17, v56;
	v20 =	vadd.f32 v23, v20;
	v10 =	vadd.f32 v11, v10  }
0x15e: {  	v23 =	vld [tilespmem:s17+$0x770];
	v14 =	vadd.f32 v14, v15;
	v15 =	vmul.f32 v24, v31  }
0x15f: {  	v9 =	vadd.f32 v9, v10;
	v10 =	vld [tilespmem:$0x1FEA0];
	v13, _, _ =	vpop (xrf2);
	(xrf2) =	vadd.scan.msk.f32 $0xffff, v20  }
0x160: {  	v5 =	vmul.f32 v59, v58;
	v6 =	vmul.f32 v61, v60;
	v7 =	vld [tilespmem:s17+$0x7E0];
	v14 =	vadd.f32 v15, v14  }
0x161: {  	v15 =	vld [tilespmem:s17+$0x87E0];
	v16 =	vmul.f32 v16, v28  }
0x162: {  	v63 =	vld [tilespmem:s17+$0x7F0];
	v4 =	vmul.f32 v12, v62;
	v5 =	vadd.f32 v6, v5;
	v8, _, _ =	vpop (xrf2);
	(xrf2) =	vadd.scan.msk.f32 $0xffff, v14  }
0x163: {  	v3 =	vld [tilespmem:s17+$0x87F0];
	v0 =	vmul.f32 v36, v35;
	v9 =	vadd.f32 v16, v9  }
0x164: {  	v12 =	vadd.f32 v4, v5;
	v34 =	vmul.f32 v57, v23;
	v2 =	vmul.f32 v32, v10  }
0x165: {  	v33, _, _ =	vpop (xrf2);
	(xrf2) =	vadd.scan.msk.f32 $0xffff, v9  }
0x166: {  	v37 =	vadd.f32 v34, v12;
	v0 =	vadd.f32 v0, v2;
	v38 =	vmul.f32 v15, v7;
	v40, _, _ =	vpop (xrf2)  }
0x167: {  	v41 =	vbroadcast v33, $0xF;
	v42 =	vbroadcast v40, $0xF  }
0x168: {  	v44 =	vmul.f32 v3, v63;
	v43 =	vbroadcast v8, $0xF;
	v0 =	vadd.f32 v38, v0;
	(xrf2) =	vadd.scan.msk.f32 $0xffff, v37  }
0x169: {  	v46 =	vbroadcast v13, $0xF;
	v45 =	vsel vm0, v41, v42;
	v47, _, _ =	vpop (xrf2)  }
0x16a: {  	v0 =	vadd.f32 v44, v0;
	v1 =	vsel vm1, v45, v43;
	v48 =	vbroadcast v47, $0xF  }
0x16b: {  	v49 =	vbroadcast v18, $0xF;
	v1 =	vsel vm2, v1, v46  }
0x16c: {  	v50 =	vbroadcast v26, $0xF;
	v51, _, _ =	vpop (xrf2);
	(xrf2) =	vadd.scan.msk.f32 $0xffff, v0;
	v1 =	vsel vm3, v1, v48  }
0x16d: {  	v53 =	vbroadcast v51, $0xF;
	v52 =	vsel vm4, v1, v49  }
0x16e: {  	v55 =	vbroadcast v39, $0xF;
	v0 =	vsel vm5, v52, v50  }
0x16f: {  	v56 =	vbroadcast v29, $0xF;
	v57, _, _ =	vpop (xrf2);
	v0 =	vsel vm6, v0, v53  }
0x170: {  	v58 =	vbroadcast v57, $0xF;
	v0 =	vsel vm7, v0, v55  }
0x171: {  	v59 =	vbroadcast v22, $0xF;
	v0 =	vsel vm8, v0, v56  }
0x172: {  	v60 =	vbroadcast v21, $0xF;
	v61, _, _ =	vpop (xrf2);
	v0 =	vsel vm9, v0, v58  }
0x173: {  	v3 =	vbroadcast v61, $0xF;
	v0 =	vsel vm10, v0, v59  }
0x174: {  	v62 =	vbroadcast v54, $0xF;
	v0 =	vsel vm11, v0, v60  }
0x175: {  	v0 =	vsel vm12, v0, v3  }
0x176: {  	v63, _, _ =	vpop (xrf2);
	v0 =	vsel vm13, v0, v62  }
0x177: {  	s18 =	sadd.s32 $0x10, s18;
	v0 =	vsel vm14, v0, v63  }
0x178: {  	s17 =	sshra.s32 s19, $0x2;
	[tilespmem:s18+$0x0] =	vst v0  }
0x179: {  	v0 =	vld [tilespmem:s17+$0x7B0]  }
0x17a: {  	v21 =	vld [tilespmem:s17+$0x87B0]  }
0x17b: {  	v4 =	vld [tilespmem:s17+$0x7C0]  }
0x17c: {  	v5 =	vld [tilespmem:s17+$0x87C0]  }
0x17d: {  	v6 =	vld [tilespmem:s17+$0x7D0]  }
0x17e: {  	v7 =	vld [tilespmem:s17+$0x87D0]  }
0x17f: {  	v26 =	vld [tilespmem:s17+$0x7A0]  }
0x180: {  	v31 =	vld [tilespmem:s17+$0x87A0]  }
0x181: {  	v35 =	vld [tilespmem:s17+$0x730]  }
0x182: {  	v37 =	vld [tilespmem:s17+$0x8730]  }
0x183: {  	v8 =	vld [tilespmem:s17+$0x760]  }
0x184: {  	v24 =	vld [tilespmem:s17+$0x780]  }
0x185: {  	v25 =	vld [tilespmem:s17+$0x8780]  }
0x186: {  	v32 =	vld [tilespmem:s17+$0x790]  }
0x187: {  	v48 =	vld [tilespmem:s17+$0x8790]  }
0x188: {  	v9 =	vld [tilespmem:s17+$0x6F0]  }
0x189: {  	v22 =	vld [tilespmem:s17+$0x86F0]  }
0x18a: {  	v33 =	vld [tilespmem:s17+$0x720]  }
0x18b: {  	v34 =	vld [tilespmem:s17+$0x8720]  }
0x18c: {  	v10 =	vld [tilespmem:s17+$0x740]  }
0x18d: {  	v11 =	vld [tilespmem:s17+$0x8740]  }
0x18e: {  	v36 =	vld [tilespmem:s17+$0x750]  }
0x18f: {  	v38 =	vld [tilespmem:s17+$0x8750]  }
0x190: {  	v43 =	vld [tilespmem:s17+$0x6E0]  }
0x191: {  	v46 =	vld [tilespmem:s17+$0x86E0]  }
0x192: {  	v53 =	vld [tilespmem:s17+$0x700]  }
0x193: {  	v54 =	vld [tilespmem:s17+$0x8700]  }
0x194: {  	v55 =	vld [tilespmem:s17+$0x710]  }
0x195: {  	v56 =	vld [tilespmem:s17+$0x8710]  }
0x196: {  	v39 =	vld [tilespmem:s17+$0x670]  }
0x197: {  	v41 =	vld [tilespmem:s17+$0x8670]  }
0x198: {  	v40 =	vld [tilespmem:s17+$0x6A0]  }
0x199: {  	v57 =	vld [tilespmem:s17+$0x6C0]  }
0x19a: {  	v58 =	vld [tilespmem:s17+$0x86C0]  }
0x19b: {  	v59 =	vld [tilespmem:s17+$0x6D0]  }
0x19c: {  	v60 =	vld [tilespmem:s17+$0x86D0]  }
0x19d: {  	v42 =	vld [tilespmem:s17+$0x630]  }
0x19e: {  	v44 =	vld [tilespmem:s17+$0x8630]  }
0x19f: {  	v52 =	vld [tilespmem:s17+$0x8660]  }
0x1a0: {  	v45 =	vld [tilespmem:s17+$0x680]  }
0x1a1: {  	v47 =	vld [tilespmem:s17+$0x8680]  }
0x1a2: {  	v49 =	vld [tilespmem:s17+$0x690]  }
0x1a3: {  	v50 =	vld [tilespmem:s17+$0x8690]  }
0x1a4: {  	v61 =	vld [tilespmem:s17+$0x640]  }
0x1a5: {  	v62 =	vld [tilespmem:s17+$0x8640]  }
0x1a6: {  	v63 =	vld [tilespmem:s17+$0x650]  }
0x1a7: {  	v51 =	vld [tilespmem:s17+$0x5E0]  }
0x1a8: {  	v1 =	vld [tilespmem:s17+$0x600]  }
0x1a9: {  	v2 =	vld [tilespmem:s17+$0x8600]  }
0x1aa: {  	v3 =	vld [tilespmem:s17+$0x610]  }
0x1ab: {  	v23 =	vld [tilespmem:s17+$0x85C0]  }
0x1ac: {  	v12 =	vld [tilespmem:s17+$0x8590]  }
0x1ad: {  	v29 =	vld [tilespmem:s17+$0x4F0]  }
0x1ae: {  	v30 =	vld [tilespmem:s17+$0x84F0]  }
0x1af: {  	v19 =	vld [tilespmem:s17+$0x520]  }
0x1b0: {  	v13 =	vld [tilespmem:s17+$0x540]  }
0x1b1: {  	v14 =	vld [tilespmem:s17+$0x8540]  }
0x1b2: {  	v15 =	vld [tilespmem:s17+$0x550]  }
0x1b3: {  	v16 =	vld [tilespmem:s17+$0x8550]  }
0x1b4: {  	v27 =	vld [tilespmem:s17+$0x4B0]  }
0x1b5: {  	v28 =	vld [tilespmem:s17+$0x84B0]  }
0x1b6: {  	v17 =	vld [tilespmem:s17+$0x4E0]  }
0x1b7: {  	v18 =	vld [tilespmem:s17+$0x84E0]  }
0x1b8: {  	[tilespmem:$0x1FF10] =	vst v36;
	v36 =	vld [tilespmem:s17+$0x660]  }
0x1b9: {  	[tilespmem:$0x1FF60] =	vst v49;
	v49 =	vld [tilespmem:s17+$0x620]  }
0x1ba: {  	[tilespmem:$0x1FF20] =	vst v38;
	v38 =	vld [tilespmem:s17+$0x8620]  }
0x1bb: {  	[tilespmem:$0x1FCB0] =	vst v0;
	v0 =	vld [tilespmem:s17+$0x8650]  }
0x1bc: {  	[tilespmem:$0x1FF30] =	vst v40;
	v40 =	vld [tilespmem:s17+$0x5B0]  }
0x1bd: {  	[tilespmem:$0x1FCD0] =	vst v39;
	v39 =	vld [tilespmem:s17+$0x85B0]  }
0x1be: {  	[tilespmem:$0x1FEA0] =	vst v4;
	v4 =	vld [tilespmem:s17+$0x8610]  }
0x1bf: {  	[tilespmem:$0x1FCE0] =	vst v42;
	v42 =	vld [tilespmem:s17+$0x570]  }
0x1c0: {  	[tilespmem:$0x1FF40] =	vst v45;
	v45 =	vld [tilespmem:s17+$0x8570]  }
0x1c1: {  	[tilespmem:$0x1FEB0] =	vst v5;
	v5 =	vld [tilespmem:s17+$0x5A0]  }
0x1c2: {  	[tilespmem:$0x1FEC0] =	vst v6;
	v6 =	vld [tilespmem:s17+$0x85A0]  }
0x1c3: {  	[tilespmem:$0x1FF70] =	vst v50;
	v50 =	vld [tilespmem:s17+$0x5C0]  }
0x1c4: {  	[tilespmem:$0x1FF50] =	vst v47;
	v47 =	vld [tilespmem:s17+$0x5D0]  }
0x1c5: {  	[tilespmem:$0x1FCF0] =	vst v44;
	v44 =	vld [tilespmem:s17+$0x85D0]  }
0x1c6: {  	[tilespmem:$0x1FED0] =	vst v7;
	v7 =	vld [tilespmem:s17+$0x560]  }
0x1c7: {  	[tilespmem:$0x1FEE0] =	vst v8;
	v8 =	vld [tilespmem:s17+$0x8560]  }
0x1c8: {  	[tilespmem:$0x1FCC0] =	vst v9;
	v9 =	vld [tilespmem:s17+$0x580]  }
0x1c9: {  	[tilespmem:$0x1FEF0] =	vst v10;
	v10 =	vld [tilespmem:s17+$0x8580]  }
0x1ca: {  	[tilespmem:$0x1FF00] =	vst v11;
	v11 =	vld [tilespmem:s17+$0x590]  }
0x1cb: {  	[tilespmem:$0x1FF80] =	vst v51;
	v51 =	vld [tilespmem:s17+$0x500]  }
0x1cc: {  	v20 =	vmul.f32 v25, v24;
	v24 =	vld [tilespmem:s17+$0x8500]  }
0x1cd: {  	v32 =	vmul.f32 v48, v32;
	v25 =	vld [tilespmem:s17+$0x510]  }
0x1ce: {  	v48 =	vmul.f32 v54, v53;
	v53 =	vmul.f32 v56, v55;
	v56 =	vld [tilespmem:$0x1FCB0]  }
0x1cf: {  	v60 =	vmul.f32 v60, v59;
	v59 =	vld [tilespmem:$0x1FCC0]  }
0x1d0: {  	v43 =	vmul.f32 v46, v43;
	v46 =	vld [tilespmem:$0x1FCF0]  }
0x1d1: {  	v20 =	vadd.f32 v32, v20;
	v32 =	vmul.f32 v31, v26;
	v26 =	vld [tilespmem:s17+$0x8510]  }
0x1d2: {  	v58 =	vmul.f32 v58, v57;
	v31 =	vld [tilespmem:s17+$0x430]  }
0x1d3: {  	v48 =	vadd.f32 v53, v48;
	v53 =	vmul.f32 v34, v33;
	v33 =	vld [tilespmem:s17+$0x4A0]  }
0x1d4: {  	v34 =	vld [tilespmem:s17+$0x84A0];
	v57 =	vadd.f32 v60, v58  }
0x1d5: {  	v20 =	vadd.f32 v32, v20;
	v32 =	vld [tilespmem:s17+$0x8430]  }
0x1d6: {  	v35 =	vmul.f32 v37, v35;
	v37 =	vadd.f32 v43, v57;
	v43 =	vld [tilespmem:s17+$0x84D0]  }
0x1d7: {  	v60 =	vmul.f32 v52, v36;
	v36 =	vld [tilespmem:s17+$0x8420];
	v21 =	vmul.f32 v21, v56  }
0x1d8: {  	v58 =	vmul.f32 v62, v61;
	v0 =	vmul.f32 v0, v63;
	v63 =	vld [tilespmem:$0x1FCD0]  }
0x1d9: {  	v61 =	vmul.f32 v4, v3;
	v3 =	vld [tilespmem:s17+$0x8480];
	v20 =	vadd.f32 v21, v20;
	v21 =	vadd.f32 v53, v48  }
0x1da: {  	v22 =	vmul.f32 v22, v59;
	v59 =	vmul.f32 v39, v40;
	v39 =	vld [tilespmem:s17+$0x410]  }
0x1db: {  	v40 =	vld [tilespmem:s17+$0x440];
	v21 =	vadd.f32 v35, v21  }
0x1dc: {  	v48 =	vld [tilespmem:s17+$0x4C0];
	v62 =	vadd.f32 v22, v37;
	(xrf2) =	vadd.scan.msk.f32 $0xffff, v20  }
0x1dd: {  	v53 =	vld [tilespmem:s17+$0x4D0];
	(xrf2) =	vadd.scan.msk.f32 $0xffff, v21  }
0x1de: {  	v0 =	vadd.f32 v0, v58;
	v4 =	vmul.f32 v41, v63;
	v41 =	vld [tilespmem:$0x1FCE0];
	(xrf2) =	vadd.scan.msk.f32 $0xffff, v62  }
0x1df: {  	v1 =	vmul.f32 v2, v1;
	v9 =	vmul.f32 v10, v9;
	v22 =	vld [tilespmem:s17+$0x480]  }
0x1e0: {  	v37 =	vmul.f32 v38, v49;
	v38 =	vmul.f32 v12, v11;
	v0 =	vadd.f32 v60, v0;
	v20 =	vld [tilespmem:s17+$0x84C0]  }
0x1e1: {  	v57 =	vmul.f32 v16, v15;
	v5 =	vmul.f32 v6, v5;
	v1 =	vadd.f32 v61, v1;
	v11 =	vld [tilespmem:s17+$0x8490]  }
0x1e2: {  	v49 =	vmul.f32 v14, v13;
	v35 =	vld [tilespmem:s17+$0x420];
	v9 =	vadd.f32 v38, v9;
	v0 =	vadd.f32 v4, v0  }
0x1e3: {  	p0 =	sne.s32 s19, $0x1F000;
	v16 =	vmovc v23;
	v60 =	vmul.f32 v8, v7;
	v1 =	vadd.f32 v37, v1;
	v4 =	vld [tilespmem:s17+$0x490];
	v2 =	vmul.f32 v46, v41  }
.Ltmp0:
0x1e4: {  	v37 =	vld [tilespmem:s17+$0x8400];
	v63 =	vmul.f32 v45, v42;
	v58 =	vadd.f32 v5, v9;
	(xrf2) =	vadd.scan.msk.f32 $0xffff, v0;
	v0 =	vadd.f32 v57, v49;
	(pc) =	sbr.rel @p0 .LBB2_2-.Ltmp0, $4  }
0x1e5: {  	v15 =	vmovc v50;
	v38 =	vld [tilespmem:s17+$0x400];
	v62 =	vmul.f32 v43, v53;
	v61 =	vmul.f32 v20, v48;
	v1 =	vadd.f32 v2, v1  }
0x1e6: {  	v42 =	vld [tilespmem:s17+$0x8440];
	v46 =	vmul.f32 v18, v17;
	v0 =	vadd.f32 v60, v0;
	v2 =	vadd.f32 v59, v58;
	v54, _, _ =	vpop (xrf2)  }
0x1e7: {  	v43 =	vld [tilespmem:s17+$0x450];
	v18 =	vmov v44;
	v17 =	vmov v47;
	v47 =	vmul.f32 v3, v22;
	(xrf2) =	vadd.scan.msk.f32 $0xffff, v1;
	v21, _, _ =	vpop (xrf2)  }
0x1e8: {  	s19 =	sadd.s32 $0x1000, s19;
	v41 =	vld [tilespmem:s17+$0x8410];
	v45 =	vadd.f32 v62, v61;
	v48 =	vmul.f32 v11, v4;
	v44 =	vadd.f32 v63, v0;
	(xrf2) =	vadd.scan.msk.f32 $0xffff, v2;
	v22, _, _ =	vpop (xrf2)  }
0x1e9: {  	v0 =	vld [tilespmem:s17+$0x8450]  }
0x1ea: {  	v1 =	vld [tilespmem:s17+$0x460]  }
0x1eb: {  	v4 =	vld [tilespmem:s17+$0x8460]  }
0x1ec: {  	v7 =	vld [tilespmem:s17+$0x470]  }
0x1ed: {  	v6 =	vmul.f32 v34, v33;
	v33 =	vld [tilespmem:s17+$0x8470]  }
0x1ee: {  	v10 =	vld [tilespmem:s17+$0x8520]  }
0x1ef: {  	v12 =	vld [tilespmem:s17+$0x530]  }
0x1f0: {  	v14 =	vld [tilespmem:s17+$0x85E0]  }
0x1f1: {  	v50 =	vld [tilespmem:s17+$0x86A0]  }
0x1f2: {  	v52 =	vld [tilespmem:s17+$0x6B0]  }
0x1f3: {  	v53 =	vld [tilespmem:$0x1FF80]  }
0x1f4: {  	v55 =	vld [tilespmem:s17+$0x86B0]  }
0x1f5: {  	v57 =	vld [tilespmem:$0x1FF40]  }
0x1f6: {  	v58 =	vld [tilespmem:$0x1FF50]  }
0x1f7: {  	v59 =	vld [tilespmem:$0x1FF60]  }
0x1f8: {  	v60 =	vld [tilespmem:$0x1FF70]  }
0x1f9: {  	v61 =	vld [tilespmem:s17+$0x8760]  }
0x1fa: {  	v3 =	vmul.f32 v30, v29;
	v11 =	vmul.f32 v28, v27;
	v62 =	vld [tilespmem:s17+$0x770]  }
0x1fb: {  	v13 =	vmul.f32 v32, v31;
	v49 =	vmul.f32 v18, v17;
	v17 =	vld [tilespmem:$0x1FF30]  }
0x1fc: {  	v18 =	vld [tilespmem:s17+$0x8770];
	v2 =	vadd.f32 v46, v45;
	v8 =	vmul.f32 v37, v38;
	v9 =	vmul.f32 v41, v39  }
0x1fd: {  	v20 =	vld [tilespmem:$0x1FEF0];
	v5 =	vadd.f32 v48, v47;
	v34 =	vmul.f32 v42, v40;
	v0 =	vmul.f32 v0, v43  }
0x1fe: {  	v23 =	vld [tilespmem:$0x1FF00];
	v37 =	vmul.f32 v36, v35;
	v40 =	vmul.f32 v24, v51;
	v8 =	vadd.f32 v9, v8  }
0x1ff: {  	v38 =	vld [tilespmem:s17+$0x8530];
	v5 =	vadd.f32 v6, v5;
	v1 =	vmul.f32 v4, v1;
	v0 =	vadd.f32 v0, v34  }
0x200: {  	v31 =	vld [tilespmem:$0x1FEE0];
	v2 =	vadd.f32 v3, v2;
	v41 =	vmul.f32 v26, v25;
	v39 =	vadd.f32 v37, v8  }
0x201: {  	(xrf2) =	vadd.scan.msk.f32 $0xffff, v44;
	v47 =	vld [tilespmem:s17+$0x85F0];
	v5 =	vadd.f32 v11, v5;
	v42 =	vmul.f32 v33, v7;
	v0 =	vadd.f32 v1, v0  }
0x202: {  	v43 =	vld [tilespmem:s17+$0x5F0];
	(xrf2) =	vadd.scan.msk.f32 $0xffff, v2;
	v46 =	vmul.f32 v10, v19;
	v45 =	vadd.f32 v41, v40;
	v44 =	vadd.f32 v13, v39  }
0x203: {  	v48 =	vmul.f32 v16, v15;
	v24 =	vld [tilespmem:$0x1FF10];
	(xrf2) =	vadd.scan.msk.f32 $0xffff, v5;
	v0 =	vadd.f32 v42, v0  }
0x204: {  	v25 =	vld [tilespmem:$0x1FF20];
	v4 =	vmul.f32 v38, v12;
	v51 =	vadd.f32 v46, v45;
	(xrf2) =	vadd.scan.msk.f32 $0xffff, v44  }
0x205: {  	v35 =	vld [tilespmem:$0x1FEB0];
	v5 =	vmul.f32 v14, v53;
	v1 =	vadd.f32 v49, v48;
	(xrf2) =	vadd.scan.msk.f32 $0xffff, v0  }
0x206: {  	v2 =	vmul.f32 v58, v57;
	v38 =	vld [tilespmem:$0x1FEC0];
	v56 =	vadd.f32 v4, v51;
	v4 =	vmul.f32 v60, v59  }
0x207: {  	v34 =	vld [tilespmem:$0x1FEA0];
	v3 =	vmul.f32 v47, v43;
	v1 =	vadd.f32 v5, v1  }
0x208: {  	v63, _, _ =	vpop (xrf2);
	v39 =	vld [tilespmem:$0x1FED0];
	v2 =	vadd.f32 v4, v2;
	v4 =	vmul.f32 v50, v17;
	(xrf2) =	vadd.scan.msk.f32 $0xffff, v56  }
0x209: {  	v29 =	vld [tilespmem:s17+$0x87E0];
	v19, _, _ =	vpop (xrf2);
	v11 =	vmul.f32 v25, v24;
	v1 =	vadd.f32 v3, v1;
	v3 =	vmul.f32 v23, v20  }
0x20a: {  	v26 =	vld [tilespmem:s17+$0x7E0];
	v28 =	vmul.f32 v55, v52;
	v27, _, _ =	vpop (xrf2);
	v2 =	vadd.f32 v4, v2  }
0x20b: {  	v32 =	vld [tilespmem:s17+$0x7F0];
	v10 =	vmul.f32 v61, v31;
	v30, _, _ =	vpop (xrf2);
	v3 =	vadd.f32 v11, v3;
	(xrf2) =	vadd.scan.msk.f32 $0xffff, v1  }
0x20c: {  	v36 =	vld [tilespmem:s17+$0x87F0];
	v5 =	vmul.f32 v18, v62;
	v33, _, _ =	vpop (xrf2);
	v2 =	vadd.f32 v28, v2  }
0x20d: {  	v4 =	vmul.f32 v35, v34;
	v9 =	vmul.f32 v39, v38;
	v37, _, _ =	vpop (xrf2);
	v3 =	vadd.f32 v10, v3  }
0x20e: {  	(xrf2) =	vadd.scan.msk.f32 $0xffff, v2;
	v40, _, _ =	vpop (xrf2)  }
0x20f: {  	v43 =	vmul.f32 v29, v26;
	v42 =	vadd.f32 v9, v4;
	v41 =	vadd.f32 v5, v3;
	v44, _, _ =	vpop (xrf2)  }
0x210: {  	v45 =	vbroadcast v40, $0xF;
	v5 =	vbroadcast v44, $0xF  }
0x211: {  	v47 =	vmul.f32 v36, v32;
	v46 =	vbroadcast v37, $0xF;
	v3 =	vadd.f32 v43, v42;
	(xrf2) =	vadd.scan.msk.f32 $0xffff, v41  }
0x212: {  	v1 =	vbroadcast v33, $0xF;
	v49, _, _ =	vpop (xrf2);
	v48 =	vsel vm0, v45, v5  }
0x213: {  	v3 =	vadd.f32 v47, v3;
	v5 =	vbroadcast v49, $0xF;
	v2 =	vsel vm1, v48, v46  }
0x214: {  	v50 =	vbroadcast v30, $0xF;
	v1 =	vsel vm2, v2, v1  }
0x215: {  	v51 =	vbroadcast v27, $0xF;
	(xrf2) =	vadd.scan.msk.f32 $0xffff, v3;
	v52, _, _ =	vpop (xrf2);
	v1 =	vsel vm3, v1, v5  }
0x216: {  	v53 =	vbroadcast v52, $0xF;
	v1 =	vsel vm4, v1, v50  }
0x217: {  	v0 =	vbroadcast v19, $0xF;
	v1 =	vsel vm5, v1, v51  }
0x218: {  	v55 =	vbroadcast v63, $0xF;
	v56, _, _ =	vpop (xrf2);
	v1 =	vsel vm6, v1, v53  }
0x219: {  	v57 =	vbroadcast v56, $0xF;
	v0 =	vsel vm7, v1, v0  }
0x21a: {  	v58 =	vbroadcast v22, $0xF;
	v0 =	vsel vm8, v0, v55  }
0x21b: {  	v59 =	vbroadcast v21, $0xF;
	v60, _, _ =	vpop (xrf2);
	v0 =	vsel vm9, v0, v57  }
0x21c: {  	v61 =	vbroadcast v60, $0xF;
	v0 =	vsel vm10, v0, v58  }
0x21d: {  	v62 =	vbroadcast v54, $0xF;
	v0 =	vsel vm11, v0, v59  }
0x21e: {  	v0 =	vsel vm12, v0, v61  }
0x21f: {  	s16 =	sadd.s32 $0x1, s16;
	v63, _, _ =	vpop (xrf2);
	v0 =	vsel vm13, v0, v62  }
0x220: {  	s31 =	sadd.s32 $0x10, s18;
	p0 =	sne.s32 s16, s8;
	v0 =	vsel vm14, v0, v63  }
.Ltmp1:
0x221: {  	[tilespmem:s31+$0x0] =	vst v0;
	(pc) =	sbr.rel @p0 .LBB2_1-.Ltmp1, $4  }
0x222: {  	[hbm4b:s7+s1] =	stream.linear.scatter [tilespmem:s15], [sflag:$0x3], $0x200, $0x38;
	[tilespmem:$0x10600] =	vst v63  }
0x223: {  	_ =	swait.ge [sflag:s9], $0x200  }
0x224: {  	[sflag:s9] =	ssyncset.done $0x0  }
0x225: {  	[sflag:s9] =	ssyncadd.s32 $0xFFFFFE00  }
0x226: {  	_ =	sfence.sel $0x180000  }
0x227: {  	[bflag:$0x0] =	sbarrier.arrive $0xFFFF  }
0x228: {  	p0 =	sne.s32 s2, $0x0;
	_ =	strace $0x90000047  }
0x229: {  	s0 =	sadd.s32 @!p0 $0x100000, s0;
	[bflag:$0x2] =	sbarrier.arrive $0xFFFF  }
0x22a: {  	[sflag:s0] =	ssyncadd.tile.s32 @!p0 $0x1;
	_ =	shalt  }
.Lfunc_end2:
_tile_overlayer_lowered:
.L_overlay_start_2:
0x22b: {  	(tag) =	ssettag $0x2  }
0x22c: {  	s0 =	rddreg [dreg:$0x0];
	s2 =	stileid.u32  }
0x22d: {  	s1 =	rddreg [dreg:$0x1];
	p0 =	sne.s32 s2, $0x0  }
0x22e: {  	s3 =	rddreg [dreg:$0x2];
	[bflag:$0x3] =	sbarrier.arrive $0xFFFF;
	s2 =	simm.s32 @!p0 $0x1C03  }
0x22f: {  	[timem:s3], [sflag:s2] =	dma.local @!p0 [hbm:s0], s1  }
0x230: {  	s0 =	simm.s32 @!p0 $0x3  }
0x231: {  	_ =	swait.ge @!p0 [sflag:s0], s1  }
0x232: {  	s1 =	ssub.s32 @!p0 $0x0, s1;
	[sflag:s0] =	ssyncset.done @!p0 $0x0  }
0x233: {  	[sflag:s0] =	ssyncadd.s32 @!p0 s1  }
0x234: {  	[bflag:$0x3] =	sbarrier.arrive $0xFFFF  }
0x235: {  	_ =	shalt  }

</sc_bundles>
